<compile_context>
chip_gen: v7x
topology: tpu7x:2x2x1
jax: 0.10.2.dev20260603
libtpu: 0.0.44.dev20260713+nightly
codegen_flags: <defaults>
</compile_context>

<pallas_src>
import functools

import jax
import jax.numpy as jnp
from jax import lax
from jax.experimental import pallas as pl
from jax.experimental.pallas import tpu as pltpu
from jax.experimental.pallas import tpu_sc as plsc

B = 16384
NEG = 5
D = 64
NC = 2
NS = 16
L = 16
NW = NC * NS
BPW = B // NW
CH = 128
NCHUNK = BPW // CH
GP = CH // L


def _log_sigmoid(x):
    m = jnp.minimum(x, 0.0)
    t = jnp.exp(-jnp.abs(x))
    s = t / (t + 2.0)
    s2 = s * s
    p = jnp.float32(1.0 / 11.0)
    p = 1.0 / 9.0 + s2 * p
    p = 1.0 / 7.0 + s2 * p
    p = 1.0 / 5.0 + s2 * p
    p = 1.0 / 3.0 + s2 * p
    p = 1.0 + s2 * p
    return m - 2.0 * (s * p)


_mesh = plsc.VectorSubcoreMesh(core_axis_name="c", subcore_axis_name="s")


@functools.partial(
    pl.kernel,
    mesh=_mesh,
    compiler_params=pltpu.CompilerParams(
        needs_layout_passes=False, use_tc_tiling_on_sc=False),
    out_type=jax.ShapeDtypeStruct((NW, L), jnp.float32),
    scratch_types=[
        pltpu.VMEM((BPW,), jnp.int32),
        pltpu.VMEM((BPW,), jnp.int32),
        pltpu.VMEM((BPW * NEG,), jnp.int32),
        pltpu.VMEM((CH, D), jnp.float32),
        pltpu.VMEM((CH, D), jnp.float32),
        pltpu.VMEM((CH * NEG, D), jnp.float32),
        pltpu.VMEM((L,), jnp.float32),
        pltpu.SemaphoreType.DMA,
    ],
)
def _sg_kernel(pos_w_hbm, pos_v_hbm, n0, n1, n2, n3, n4, w_hbm, v_hbm,
               out_hbm, iw_v, iv_v, in_v, wr, vr, nr, accv, sem):
    wid = lax.axis_index("s") * NC + lax.axis_index("c")
    base = wid * BPW
    pltpu.sync_copy(pos_w_hbm.at[pl.ds(base, BPW)], iw_v)
    pltpu.sync_copy(pos_v_hbm.at[pl.ds(base, BPW)], iv_v)
    for k, nk in enumerate((n0, n1, n2, n3, n4)):
        pltpu.sync_copy(nk.at[pl.ds(base, BPW)],
                        in_v.at[pl.ds(k * BPW, BPW)])

    lanes = lax.iota(jnp.int32, L)
    zero = jnp.zeros((L,), jnp.float32)

    def chunk_body(ci, tot):
        copies = [
            pltpu.async_copy(w_hbm.at[iw_v.at[pl.ds(ci * CH, CH)]], wr, sem),
            pltpu.async_copy(v_hbm.at[iv_v.at[pl.ds(ci * CH, CH)]], vr, sem),
        ]
        for k in range(NEG):
            copies.append(pltpu.async_copy(
                v_hbm.at[in_v.at[pl.ds(k * BPW + ci * CH, CH)]],
                nr.at[pl.ds(k * CH, CH)], sem))
        for c in copies:
            c.wait()

        def group_body(g, tot):
            rows = lanes + g * L

            def d_body(d, carry):
                accp, a0, a1, a2, a3, a4 = carry
                dcol = jnp.full((L,), d, jnp.int32)
                wv = plsc.load_gather(wr, [rows, dcol])
                vv = plsc.load_gather(vr, [rows, dcol])
                accp = accp + wv * vv
                accs = [a0, a1, a2, a3, a4]
                out = []
                for k in range(NEG):
                    nv = plsc.load_gather(nr, [rows + k * CH, dcol])
                    out.append(accs[k] + nv * wv)
                return (accp, out[0], out[1], out[2], out[3], out[4])

            accp, a0, a1, a2, a3, a4 = lax.fori_loop(
                0, D, d_body, (zero, zero, zero, zero, zero, zero))
            tot = tot + _log_sigmoid(accp)
            for ak in (a0, a1, a2, a3, a4):
                tot = tot + _log_sigmoid(-ak)
            return tot

        return lax.fori_loop(0, GP, group_body, tot)

    tot = lax.fori_loop(0, NCHUNK, chunk_body, zero)
    accv[...] = tot
    pltpu.sync_copy(accv, out_hbm.at[wid])


def kernel(pos_w, pos_v, neg_v, w_emb, v_emb):
    pos_w = pos_w.astype(jnp.int32)
    pos_v = pos_v.astype(jnp.int32)
    negs = [neg_v[:, k].astype(jnp.int32) for k in range(NEG)]
    parts = _sg_kernel(pos_w, pos_v, *negs, w_emb, v_emb)
    return -jnp.sum(parts)

# --- scband reference (transcript-rebuilt; emitter-appended) ---
"""Pipeline reference for scband-skip-gram-model-56882546868375 (READ-ONLY COPY).

The authoritative reference and input builder live on the scoring server;
editing this copy changes nothing except your own understanding.
"""

import jax, jax.numpy as jnp
import numpy as np

VOCAB = 1000000
EMBED = 64
BATCH = 16384
NEG = 5


def setup_inputs(seed: int = 0) -> dict:
    key = jax.random.key(seed)
    k1, k2, k3, k4, k5 = jax.random.split(key, 5)
    pos_w = jax.random.randint(k1, (BATCH,), 0, VOCAB, dtype=jnp.int64) if jax.config.jax_enable_x64 else jax.random.randint(k1, (BATCH,), 0, VOCAB).astype(jnp.int32)
    pos_v = jax.random.randint(k2, (BATCH,), 0, VOCAB).astype(pos_w.dtype)
    neg_v = jax.random.randint(k3, (BATCH, NEG), 0, VOCAB).astype(pos_w.dtype)
    init_range = 0.5 / EMBED
    w_emb = jax.random.uniform(k4, (VOCAB, EMBED), dtype=jnp.float32, minval=-init_range, maxval=init_range)
    # torch code inits v_embedding to zeros; use small random values for a non-degenerate test
    v_emb = jax.random.uniform(k5, (VOCAB, EMBED), dtype=jnp.float32, minval=-init_range, maxval=init_range)
    return {"pos_w": pos_w, "pos_v": pos_v, "neg_v": neg_v, "w_emb": w_emb, "v_emb": v_emb}


def reference(pos_w, pos_v, neg_v, w_emb, v_emb):
    # embedding lookups (gather)
    emb_w = jnp.take(w_emb, pos_w, axis=0)          # [B, D]
    emb_v = jnp.take(v_emb, pos_v, axis=0)          # [B, D]
    neg_emb_v = jnp.take(v_emb, neg_v, axis=0)      # [B, NEG, D]
    # positive score
    score = jnp.sum(emb_w * emb_v, axis=1)          # [B]
    score = jax.nn.log_sigmoid(score)
    # negative score: bmm(neg_emb_v, emb_w.unsqueeze(2)) -> [B, NEG, 1]
    neg_score = jnp.einsum('bkd,bd->bk', neg_emb_v, emb_w)
    neg_score = jax.nn.log_sigmoid(-1.0 * neg_score)
    loss = -1.0 * (jnp.sum(score) + jnp.sum(neg_score))
    return loss

if __name__ == "__main__":
    import jax
    _d = setup_inputs()
    print(jax.jit(kernel)(*tuple(_d.values())))

</pallas_src>

<mosaic_0001>
#map = affine_map<(d0, d1) -> (0)>
#map1 = affine_map<(d0, d1) -> (0, 0)>
module attributes {stable_mosaic.version = 14 : i64} {
  func.func @_sg_kernel(%arg0: i32, %arg1: i32, %arg2: memref<16384xi32, #tpu.memory_space<hbm>>, %arg3: memref<16384xi32, #tpu.memory_space<hbm>>, %arg4: memref<16384xi32, #tpu.memory_space<hbm>>, %arg5: memref<16384xi32, #tpu.memory_space<hbm>>, %arg6: memref<16384xi32, #tpu.memory_space<hbm>>, %arg7: memref<16384xi32, #tpu.memory_space<hbm>>, %arg8: memref<16384xi32, #tpu.memory_space<hbm>>, %arg9: memref<1000000x64xf32, #tpu.memory_space<hbm>>, %arg10: memref<1000000x64xf32, #tpu.memory_space<hbm>>, %arg11: memref<32x16xf32, #tpu.memory_space<hbm>>, %arg12: memref<512xi32, #tpu.memory_space<vmem>>, %arg13: memref<512xi32, #tpu.memory_space<vmem>>, %arg14: memref<2560xi32, #tpu.memory_space<vmem>>, %arg15: memref<128x64xf32, #tpu.memory_space<vmem>>, %arg16: memref<128x64xf32, #tpu.memory_space<vmem>>, %arg17: memref<640x64xf32, #tpu.memory_space<vmem>>, %arg18: memref<16xf32, #tpu.memory_space<vmem>>, %arg19: memref<!tpu.dma_semaphore, #tpu.memory_space<semaphore_mem>>) attributes {dimension_semantics = [#tpu.dimension_semantics<core_parallel>, #tpu.dimension_semantics<subcore_parallel>], iteration_bounds = array<i64: 2, 16>, scalar_prefetch = 0 : i64, scratch_operands = 8 : i64, tpu.core_type = #tpu.core_type<sc_vector_subcore>, window_params = [{transform_indices = #map}, {transform_indices = #map}, {transform_indices = #map}, {transform_indices = #map}, {transform_indices = #map}, {transform_indices = #map}, {transform_indices = #map}, {transform_indices = #map1}, {transform_indices = #map1}, {transform_indices = #map1}]} {
    %mul3A = arith.constant 2 : i32
    %mul3A_0 = arith.muli %arg1, %mul3A : i32
    %add3A = arith.addi %mul3A_0, %arg0 : i32
    %mul3A_1 = arith.constant 512 : i32
    %mul3A_2 = arith.muli %add3A, %mul3A_1 : i32
    "tpu.region"() ({
      %run_scoped3A = tpu.sem_alloc : memref<!tpu.dma_semaphore, #tpu.memory_space<semaphore_mem>>
      %dma_start3A = tpu.memref_slice %arg2[%mul3A_2] : memref<16384xi32, #tpu.memory_space<hbm>> -> memref<512xi32, #tpu.memory_space<hbm>>
      %dma_start3A_10 = tpu.memref_slice %arg2[%mul3A_2] : memref<16384xi32, #tpu.memory_space<hbm>> -> memref<512xi32, #tpu.memory_space<hbm>>
      tpu.enqueue_dma source(%dma_start3A_10 : memref<512xi32, #tpu.memory_space<hbm>>) target(%arg12 : memref<512xi32, #tpu.memory_space<vmem>>) target_semaphore(%run_scoped3A : memref<!tpu.dma_semaphore, #tpu.memory_space<semaphore_mem>>)
      %dma_wait3A = tpu.memref_slice %arg2[%mul3A_2] : memref<16384xi32, #tpu.memory_space<hbm>> -> memref<512xi32, #tpu.memory_space<hbm>>
      %dma_wait3A_11 = tpu.memref_slice %arg2[%mul3A_2] : memref<16384xi32, #tpu.memory_space<hbm>> -> memref<512xi32, #tpu.memory_space<hbm>>
      tpu.wait_dma2 semaphore(%run_scoped3A : memref<!tpu.dma_semaphore, #tpu.memory_space<semaphore_mem>>) src(%dma_wait3A_11 : memref<512xi32, #tpu.memory_space<hbm>>) dst(%arg12 : memref<512xi32, #tpu.memory_space<vmem>>)
      tpu.yield
    }) : () -> ()
    "tpu.region"() ({
      %run_scoped3A = tpu.sem_alloc : memref<!tpu.dma_semaphore, #tpu.memory_space<semaphore_mem>>
      %dma_start3A = tpu.memref_slice %arg3[%mul3A_2] : memref<16384xi32, #tpu.memory_space<hbm>> -> memref<512xi32, #tpu.memory_space<hbm>>
      %dma_start3A_10 = tpu.memref_slice %arg3[%mul3A_2] : memref<16384xi32, #tpu.memory_space<hbm>> -> memref<512xi32, #tpu.memory_space<hbm>>
      tpu.enqueue_dma source(%dma_start3A_10 : memref<512xi32, #tpu.memory_space<hbm>>) target(%arg13 : memref<512xi32, #tpu.memory_space<vmem>>) target_semaphore(%run_scoped3A : memref<!tpu.dma_semaphore, #tpu.memory_space<semaphore_mem>>)
      %dma_wait3A = tpu.memref_slice %arg3[%mul3A_2] : memref<16384xi32, #tpu.memory_space<hbm>> -> memref<512xi32, #tpu.memory_space<hbm>>
      %dma_wait3A_11 = tpu.memref_slice %arg3[%mul3A_2] : memref<16384xi32, #tpu.memory_space<hbm>> -> memref<512xi32, #tpu.memory_space<hbm>>
      tpu.wait_dma2 semaphore(%run_scoped3A : memref<!tpu.dma_semaphore, #tpu.memory_space<semaphore_mem>>) src(%dma_wait3A_11 : memref<512xi32, #tpu.memory_space<hbm>>) dst(%arg13 : memref<512xi32, #tpu.memory_space<vmem>>)
      tpu.yield
    }) : () -> ()
    "tpu.region"() ({
      %run_scoped3A = tpu.sem_alloc : memref<!tpu.dma_semaphore, #tpu.memory_space<semaphore_mem>>
      %dma_start3A = arith.constant 0 : i32
      %dma_start3A_10 = tpu.memref_slice %arg14[%dma_start3A] : memref<2560xi32, #tpu.memory_space<vmem>> -> memref<512xi32, #tpu.memory_space<vmem>>
      %dma_start3A_11 = tpu.memref_slice %arg4[%mul3A_2] : memref<16384xi32, #tpu.memory_space<hbm>> -> memref<512xi32, #tpu.memory_space<hbm>>
      %dma_start3A_12 = arith.constant 0 : i32
      %dma_start3A_13 = tpu.memref_slice %arg14[%dma_start3A_12] : memref<2560xi32, #tpu.memory_space<vmem>> -> memref<512xi32, #tpu.memory_space<vmem>>
      %dma_start3A_14 = tpu.memref_slice %arg4[%mul3A_2] : memref<16384xi32, #tpu.memory_space<hbm>> -> memref<512xi32, #tpu.memory_space<hbm>>
      tpu.enqueue_dma source(%dma_start3A_14 : memref<512xi32, #tpu.memory_space<hbm>>) target(%dma_start3A_13 : memref<512xi32, #tpu.memory_space<vmem>>) target_semaphore(%run_scoped3A : memref<!tpu.dma_semaphore, #tpu.memory_space<semaphore_mem>>)
      %dma_wait3A = arith.constant 0 : i32
      %dma_wait3A_15 = tpu.memref_slice %arg14[%dma_wait3A] : memref<2560xi32, #tpu.memory_space<vmem>> -> memref<512xi32, #tpu.memory_space<vmem>>
      %dma_wait3A_16 = tpu.memref_slice %arg4[%mul3A_2] : memref<16384xi32, #tpu.memory_space<hbm>> -> memref<512xi32, #tpu.memory_space<hbm>>
      %dma_wait3A_17 = arith.constant 0 : i32
      %dma_wait3A_18 = tpu.memref_slice %arg14[%dma_wait3A_17] : memref<2560xi32, #tpu.memory_space<vmem>> -> memref<512xi32, #tpu.memory_space<vmem>>
      %dma_wait3A_19 = tpu.memref_slice %arg4[%mul3A_2] : memref<16384xi32, #tpu.memory_space<hbm>> -> memref<512xi32, #tpu.memory_space<hbm>>
      tpu.wait_dma2 semaphore(%run_scoped3A : memref<!tpu.dma_semaphore, #tpu.memory_space<semaphore_mem>>) src(%dma_wait3A_19 : memref<512xi32, #tpu.memory_space<hbm>>) dst(%dma_wait3A_18 : memref<512xi32, #tpu.memory_space<vmem>>)
      tpu.yield
    }) : () -> ()
    "tpu.region"() ({
      %run_scoped3A = tpu.sem_alloc : memref<!tpu.dma_semaphore, #tpu.memory_space<semaphore_mem>>
      %dma_start3A = arith.constant 512 : i32
      %dma_start3A_10 = tpu.memref_slice %arg14[%dma_start3A] : memref<2560xi32, #tpu.memory_space<vmem>> -> memref<512xi32, #tpu.memory_space<vmem>>
      %dma_start3A_11 = tpu.memref_slice %arg5[%mul3A_2] : memref<16384xi32, #tpu.memory_space<hbm>> -> memref<512xi32, #tpu.memory_space<hbm>>
      %dma_start3A_12 = arith.constant 512 : i32
      %dma_start3A_13 = tpu.memref_slice %arg14[%dma_start3A_12] : memref<2560xi32, #tpu.memory_space<vmem>> -> memref<512xi32, #tpu.memory_space<vmem>>
      %dma_start3A_14 = tpu.memref_slice %arg5[%mul3A_2] : memref<16384xi32, #tpu.memory_space<hbm>> -> memref<512xi32, #tpu.memory_space<hbm>>
      tpu.enqueue_dma source(%dma_start3A_14 : memref<512xi32, #tpu.memory_space<hbm>>) target(%dma_start3A_13 : memref<512xi32, #tpu.memory_space<vmem>>) target_semaphore(%run_scoped3A : memref<!tpu.dma_semaphore, #tpu.memory_space<semaphore_mem>>)
      %dma_wait3A = arith.constant 512 : i32
      %dma_wait3A_15 = tpu.memref_slice %arg14[%dma_wait3A] : memref<2560xi32, #tpu.memory_space<vmem>> -> memref<512xi32, #tpu.memory_space<vmem>>
      %dma_wait3A_16 = tpu.memref_slice %arg5[%mul3A_2] : memref<16384xi32, #tpu.memory_space<hbm>> -> memref<512xi32, #tpu.memory_space<hbm>>
      %dma_wait3A_17 = arith.constant 512 : i32
      %dma_wait3A_18 = tpu.memref_slice %arg14[%dma_wait3A_17] : memref<2560xi32, #tpu.memory_space<vmem>> -> memref<512xi32, #tpu.memory_space<vmem>>
      %dma_wait3A_19 = tpu.memref_slice %arg5[%mul3A_2] : memref<16384xi32, #tpu.memory_space<hbm>> -> memref<512xi32, #tpu.memory_space<hbm>>
      tpu.wait_dma2 semaphore(%run_scoped3A : memref<!tpu.dma_semaphore, #tpu.memory_space<semaphore_mem>>) src(%dma_wait3A_19 : memref<512xi32, #tpu.memory_space<hbm>>) dst(%dma_wait3A_18 : memref<512xi32, #tpu.memory_space<vmem>>)
      tpu.yield
    }) : () -> ()
    "tpu.region"() ({
      %run_scoped3A = tpu.sem_alloc : memref<!tpu.dma_semaphore, #tpu.memory_space<semaphore_mem>>
      %dma_start3A = arith.constant 1024 : i32
      %dma_start3A_10 = tpu.memref_slice %arg14[%dma_start3A] : memref<2560xi32, #tpu.memory_space<vmem>> -> memref<512xi32, #tpu.memory_space<vmem>>
      %dma_start3A_11 = tpu.memref_slice %arg6[%mul3A_2] : memref<16384xi32, #tpu.memory_space<hbm>> -> memref<512xi32, #tpu.memory_space<hbm>>
      %dma_start3A_12 = arith.constant 1024 : i32
      %dma_start3A_13 = tpu.memref_slice %arg14[%dma_start3A_12] : memref<2560xi32, #tpu.memory_space<vmem>> -> memref<512xi32, #tpu.memory_space<vmem>>
      %dma_start3A_14 = tpu.memref_slice %arg6[%mul3A_2] : memref<16384xi32, #tpu.memory_space<hbm>> -> memref<512xi32, #tpu.memory_space<hbm>>
      tpu.enqueue_dma source(%dma_start3A_14 : memref<512xi32, #tpu.memory_space<hbm>>) target(%dma_start3A_13 : memref<512xi32, #tpu.memory_space<vmem>>) target_semaphore(%run_scoped3A : memref<!tpu.dma_semaphore, #tpu.memory_space<semaphore_mem>>)
      %dma_wait3A = arith.constant 1024 : i32
      %dma_wait3A_15 = tpu.memref_slice %arg14[%dma_wait3A] : memref<2560xi32, #tpu.memory_space<vmem>> -> memref<512xi32, #tpu.memory_space<vmem>>
      %dma_wait3A_16 = tpu.memref_slice %arg6[%mul3A_2] : memref<16384xi32, #tpu.memory_space<hbm>> -> memref<512xi32, #tpu.memory_space<hbm>>
      %dma_wait3A_17 = arith.constant 1024 : i32
      %dma_wait3A_18 = tpu.memref_slice %arg14[%dma_wait3A_17] : memref<2560xi32, #tpu.memory_space<vmem>> -> memref<512xi32, #tpu.memory_space<vmem>>
      %dma_wait3A_19 = tpu.memref_slice %arg6[%mul3A_2] : memref<16384xi32, #tpu.memory_space<hbm>> -> memref<512xi32, #tpu.memory_space<hbm>>
      tpu.wait_dma2 semaphore(%run_scoped3A : memref<!tpu.dma_semaphore, #tpu.memory_space<semaphore_mem>>) src(%dma_wait3A_19 : memref<512xi32, #tpu.memory_space<hbm>>) dst(%dma_wait3A_18 : memref<512xi32, #tpu.memory_space<vmem>>)
      tpu.yield
    }) : () -> ()
    "tpu.region"() ({
      %run_scoped3A = tpu.sem_alloc : memref<!tpu.dma_semaphore, #tpu.memory_space<semaphore_mem>>
      %dma_start3A = arith.constant 1536 : i32
      %dma_start3A_10 = tpu.memref_slice %arg14[%dma_start3A] : memref<2560xi32, #tpu.memory_space<vmem>> -> memref<512xi32, #tpu.memory_space<vmem>>
      %dma_start3A_11 = tpu.memref_slice %arg7[%mul3A_2] : memref<16384xi32, #tpu.memory_space<hbm>> -> memref<512xi32, #tpu.memory_space<hbm>>
      %dma_start3A_12 = arith.constant 1536 : i32
      %dma_start3A_13 = tpu.memref_slice %arg14[%dma_start3A_12] : memref<2560xi32, #tpu.memory_space<vmem>> -> memref<512xi32, #tpu.memory_space<vmem>>
      %dma_start3A_14 = tpu.memref_slice %arg7[%mul3A_2] : memref<16384xi32, #tpu.memory_space<hbm>> -> memref<512xi32, #tpu.memory_space<hbm>>
      tpu.enqueue_dma source(%dma_start3A_14 : memref<512xi32, #tpu.memory_space<hbm>>) target(%dma_start3A_13 : memref<512xi32, #tpu.memory_space<vmem>>) target_semaphore(%run_scoped3A : memref<!tpu.dma_semaphore, #tpu.memory_space<semaphore_mem>>)
      %dma_wait3A = arith.constant 1536 : i32
      %dma_wait3A_15 = tpu.memref_slice %arg14[%dma_wait3A] : memref<2560xi32, #tpu.memory_space<vmem>> -> memref<512xi32, #tpu.memory_space<vmem>>
      %dma_wait3A_16 = tpu.memref_slice %arg7[%mul3A_2] : memref<16384xi32, #tpu.memory_space<hbm>> -> memref<512xi32, #tpu.memory_space<hbm>>
      %dma_wait3A_17 = arith.constant 1536 : i32
      %dma_wait3A_18 = tpu.memref_slice %arg14[%dma_wait3A_17] : memref<2560xi32, #tpu.memory_space<vmem>> -> memref<512xi32, #tpu.memory_space<vmem>>
      %dma_wait3A_19 = tpu.memref_slice %arg7[%mul3A_2] : memref<16384xi32, #tpu.memory_space<hbm>> -> memref<512xi32, #tpu.memory_space<hbm>>
      tpu.wait_dma2 semaphore(%run_scoped3A : memref<!tpu.dma_semaphore, #tpu.memory_space<semaphore_mem>>) src(%dma_wait3A_19 : memref<512xi32, #tpu.memory_space<hbm>>) dst(%dma_wait3A_18 : memref<512xi32, #tpu.memory_space<vmem>>)
      tpu.yield
    }) : () -> ()
    "tpu.region"() ({
      %run_scoped3A = tpu.sem_alloc : memref<!tpu.dma_semaphore, #tpu.memory_space<semaphore_mem>>
      %dma_start3A = arith.constant 2048 : i32
      %dma_start3A_10 = tpu.memref_slice %arg14[%dma_start3A] : memref<2560xi32, #tpu.memory_space<vmem>> -> memref<512xi32, #tpu.memory_space<vmem>>
      %dma_start3A_11 = tpu.memref_slice %arg8[%mul3A_2] : memref<16384xi32, #tpu.memory_space<hbm>> -> memref<512xi32, #tpu.memory_space<hbm>>
      %dma_start3A_12 = arith.constant 2048 : i32
      %dma_start3A_13 = tpu.memref_slice %arg14[%dma_start3A_12] : memref<2560xi32, #tpu.memory_space<vmem>> -> memref<512xi32, #tpu.memory_space<vmem>>
      %dma_start3A_14 = tpu.memref_slice %arg8[%mul3A_2] : memref<16384xi32, #tpu.memory_space<hbm>> -> memref<512xi32, #tpu.memory_space<hbm>>
      tpu.enqueue_dma source(%dma_start3A_14 : memref<512xi32, #tpu.memory_space<hbm>>) target(%dma_start3A_13 : memref<512xi32, #tpu.memory_space<vmem>>) target_semaphore(%run_scoped3A : memref<!tpu.dma_semaphore, #tpu.memory_space<semaphore_mem>>)
      %dma_wait3A = arith.constant 2048 : i32
      %dma_wait3A_15 = tpu.memref_slice %arg14[%dma_wait3A] : memref<2560xi32, #tpu.memory_space<vmem>> -> memref<512xi32, #tpu.memory_space<vmem>>
      %dma_wait3A_16 = tpu.memref_slice %arg8[%mul3A_2] : memref<16384xi32, #tpu.memory_space<hbm>> -> memref<512xi32, #tpu.memory_space<hbm>>
      %dma_wait3A_17 = arith.constant 2048 : i32
      %dma_wait3A_18 = tpu.memref_slice %arg14[%dma_wait3A_17] : memref<2560xi32, #tpu.memory_space<vmem>> -> memref<512xi32, #tpu.memory_space<vmem>>
      %dma_wait3A_19 = tpu.memref_slice %arg8[%mul3A_2] : memref<16384xi32, #tpu.memory_space<hbm>> -> memref<512xi32, #tpu.memory_space<hbm>>
      tpu.wait_dma2 semaphore(%run_scoped3A : memref<!tpu.dma_semaphore, #tpu.memory_space<semaphore_mem>>) src(%dma_wait3A_19 : memref<512xi32, #tpu.memory_space<hbm>>) dst(%dma_wait3A_18 : memref<512xi32, #tpu.memory_space<vmem>>)
      tpu.yield
    }) : () -> ()
    %iota3A = tpu.iota {dimensions = array<i32: 0>} : vector<16xi32>
    %broadcast_in_dim3A = arith.constant 0.000000e+00 : f32
    %broadcast_in_dim3A_3 = vector.broadcast %broadcast_in_dim3A : f32 to vector<16xf32>
    %scan3A = arith.constant 0 : i32
    %scan3A_4 = arith.constant 4 : i32
    %scan3A_5 = arith.addi %scan3A, %scan3A_4 : i32
    %scan3A_6 = arith.constant 1 : i32
    %scan3A_7 = scf.for %scan3A_10 = %scan3A to %scan3A_5 step %scan3A_6 iter_args(%scan3A_11 = %broadcast_in_dim3A_3) -> (vector<16xf32>)  : i32 {
      %mul3A_12 = arith.constant 128 : i32
      %mul3A_13 = arith.muli %scan3A_10, %mul3A_12 : i32
      %dma_start3A = tpu.memref_slice %arg12[%mul3A_13] : memref<512xi32, #tpu.memory_space<vmem>> -> memref<128xi32, #tpu.memory_space<vmem>>
      %dma_start3A_14 = arith.constant 0 : i32
      %dma_start3A_15 = arith.constant 0 : i32
      %dma_start3A_16 = tpu.memref_slice %arg9[%dma_start3A_14, %dma_start3A_15] : memref<1000000x64xf32, #tpu.memory_space<hbm>> -> memref<1000000x64xf32, #tpu.memory_space<hbm>>
      tpu.enqueue_indirect_dma source(%dma_start3A_16 : memref<1000000x64xf32, #tpu.memory_space<hbm>>) target(%arg15 : memref<128x64xf32, #tpu.memory_space<vmem>>) offsets(%dma_start3A : memref<128xi32, #tpu.memory_space<vmem>>) semaphore(%arg19 : memref<!tpu.dma_semaphore, #tpu.memory_space<semaphore_mem>>)
      %mul3A_17 = arith.constant 128 : i32
      %mul3A_18 = arith.muli %scan3A_10, %mul3A_17 : i32
      %dma_start3A_19 = tpu.memref_slice %arg13[%mul3A_18] : memref<512xi32, #tpu.memory_space<vmem>> -> memref<128xi32, #tpu.memory_space<vmem>>
      %dma_start3A_20 = arith.constant 0 : i32
      %dma_start3A_21 = arith.constant 0 : i32
      %dma_start3A_22 = tpu.memref_slice %arg10[%dma_start3A_20, %dma_start3A_21] : memref<1000000x64xf32, #tpu.memory_space<hbm>> -> memref<1000000x64xf32, #tpu.memory_space<hbm>>
      tpu.enqueue_indirect_dma source(%dma_start3A_22 : memref<1000000x64xf32, #tpu.memory_space<hbm>>) target(%arg16 : memref<128x64xf32, #tpu.memory_space<vmem>>) offsets(%dma_start3A_19 : memref<128xi32, #tpu.memory_space<vmem>>) semaphore(%arg19 : memref<!tpu.dma_semaphore, #tpu.memory_space<semaphore_mem>>)
      %mul3A_23 = arith.constant 128 : i32
      %mul3A_24 = arith.muli %scan3A_10, %mul3A_23 : i32
      %add3A_25 = arith.constant 0 : i32
      %add3A_26 = arith.addi %add3A_25, %mul3A_24 : i32
      %dma_start3A_27 = arith.constant 0 : i32
      %dma_start3A_28 = arith.constant 0 : i32
      %dma_start3A_29 = tpu.memref_slice %arg17[%dma_start3A_27, %dma_start3A_28] : memref<640x64xf32, #tpu.memory_space<vmem>> -> memref<128x64xf32, #tpu.memory_space<vmem>>
      %dma_start3A_30 = tpu.memref_slice %arg14[%add3A_26] : memref<2560xi32, #tpu.memory_space<vmem>> -> memref<128xi32, #tpu.memory_space<vmem>>
      %dma_start3A_31 = arith.constant 0 : i32
      %dma_start3A_32 = arith.constant 0 : i32
      %dma_start3A_33 = tpu.memref_slice %arg10[%dma_start3A_31, %dma_start3A_32] : memref<1000000x64xf32, #tpu.memory_space<hbm>> -> memref<1000000x64xf32, #tpu.memory_space<hbm>>
      tpu.enqueue_indirect_dma source(%dma_start3A_33 : memref<1000000x64xf32, #tpu.memory_space<hbm>>) target(%dma_start3A_29 : memref<128x64xf32, #tpu.memory_space<vmem>>) offsets(%dma_start3A_30 : memref<128xi32, #tpu.memory_space<vmem>>) semaphore(%arg19 : memref<!tpu.dma_semaphore, #tpu.memory_space<semaphore_mem>>)
      %mul3A_34 = arith.constant 128 : i32
      %mul3A_35 = arith.muli %scan3A_10, %mul3A_34 : i32
      %add3A_36 = arith.constant 512 : i32
      %add3A_37 = arith.addi %add3A_36, %mul3A_35 : i32
      %dma_start3A_38 = arith.constant 128 : i32
      %dma_start3A_39 = arith.constant 0 : i32
      %dma_start3A_40 = tpu.memref_slice %arg17[%dma_start3A_38, %dma_start3A_39] : memref<640x64xf32, #tpu.memory_space<vmem>> -> memref<128x64xf32, #tpu.memory_space<vmem>>
      %dma_start3A_41 = tpu.memref_slice %arg14[%add3A_37] : memref<2560xi32, #tpu.memory_space<vmem>> -> memref<128xi32, #tpu.memory_space<vmem>>
      %dma_start3A_42 = arith.constant 0 : i32
      %dma_start3A_43 = arith.constant 0 : i32
      %dma_start3A_44 = tpu.memref_slice %arg10[%dma_start3A_42, %dma_start3A_43] : memref<1000000x64xf32, #tpu.memory_space<hbm>> -> memref<1000000x64xf32, #tpu.memory_space<hbm>>
      tpu.enqueue_indirect_dma source(%dma_start3A_44 : memref<1000000x64xf32, #tpu.memory_space<hbm>>) target(%dma_start3A_40 : memref<128x64xf32, #tpu.memory_space<vmem>>) offsets(%dma_start3A_41 : memref<128xi32, #tpu.memory_space<vmem>>) semaphore(%arg19 : memref<!tpu.dma_semaphore, #tpu.memory_space<semaphore_mem>>)
      %mul3A_45 = arith.constant 128 : i32
      %mul3A_46 = arith.muli %scan3A_10, %mul3A_45 : i32
      %add3A_47 = arith.constant 1024 : i32
      %add3A_48 = arith.addi %add3A_47, %mul3A_46 : i32
      %dma_start3A_49 = arith.constant 256 : i32
      %dma_start3A_50 = arith.constant 0 : i32
      %dma_start3A_51 = tpu.memref_slice %arg17[%dma_start3A_49, %dma_start3A_50] : memref<640x64xf32, #tpu.memory_space<vmem>> -> memref<128x64xf32, #tpu.memory_space<vmem>>
      %dma_start3A_52 = tpu.memref_slice %arg14[%add3A_48] : memref<2560xi32, #tpu.memory_space<vmem>> -> memref<128xi32, #tpu.memory_space<vmem>>
      %dma_start3A_53 = arith.constant 0 : i32
      %dma_start3A_54 = arith.constant 0 : i32
      %dma_start3A_55 = tpu.memref_slice %arg10[%dma_start3A_53, %dma_start3A_54] : memref<1000000x64xf32, #tpu.memory_space<hbm>> -> memref<1000000x64xf32, #tpu.memory_space<hbm>>
      tpu.enqueue_indirect_dma source(%dma_start3A_55 : memref<1000000x64xf32, #tpu.memory_space<hbm>>) target(%dma_start3A_51 : memref<128x64xf32, #tpu.memory_space<vmem>>) offsets(%dma_start3A_52 : memref<128xi32, #tpu.memory_space<vmem>>) semaphore(%arg19 : memref<!tpu.dma_semaphore, #tpu.memory_space<semaphore_mem>>)
      %mul3A_56 = arith.constant 128 : i32
      %mul3A_57 = arith.muli %scan3A_10, %mul3A_56 : i32
      %add3A_58 = arith.constant 1536 : i32
      %add3A_59 = arith.addi %add3A_58, %mul3A_57 : i32
      %dma_start3A_60 = arith.constant 384 : i32
      %dma_start3A_61 = arith.constant 0 : i32
      %dma_start3A_62 = tpu.memref_slice %arg17[%dma_start3A_60, %dma_start3A_61] : memref<640x64xf32, #tpu.memory_space<vmem>> -> memref<128x64xf32, #tpu.memory_space<vmem>>
      %dma_start3A_63 = tpu.memref_slice %arg14[%add3A_59] : memref<2560xi32, #tpu.memory_space<vmem>> -> memref<128xi32, #tpu.memory_space<vmem>>
      %dma_start3A_64 = arith.constant 0 : i32
      %dma_start3A_65 = arith.constant 0 : i32
      %dma_start3A_66 = tpu.memref_slice %arg10[%dma_start3A_64, %dma_start3A_65] : memref<1000000x64xf32, #tpu.memory_space<hbm>> -> memref<1000000x64xf32, #tpu.memory_space<hbm>>
      tpu.enqueue_indirect_dma source(%dma_start3A_66 : memref<1000000x64xf32, #tpu.memory_space<hbm>>) target(%dma_start3A_62 : memref<128x64xf32, #tpu.memory_space<vmem>>) offsets(%dma_start3A_63 : memref<128xi32, #tpu.memory_space<vmem>>) semaphore(%arg19 : memref<!tpu.dma_semaphore, #tpu.memory_space<semaphore_mem>>)
      %mul3A_67 = arith.constant 128 : i32
      %mul3A_68 = arith.muli %scan3A_10, %mul3A_67 : i32
      %add3A_69 = arith.constant 2048 : i32
      %add3A_70 = arith.addi %add3A_69, %mul3A_68 : i32
      %dma_start3A_71 = arith.constant 512 : i32
      %dma_start3A_72 = arith.constant 0 : i32
      %dma_start3A_73 = tpu.memref_slice %arg17[%dma_start3A_71, %dma_start3A_72] : memref<640x64xf32, #tpu.memory_space<vmem>> -> memref<128x64xf32, #tpu.memory_space<vmem>>
      %dma_start3A_74 = tpu.memref_slice %arg14[%add3A_70] : memref<2560xi32, #tpu.memory_space<vmem>> -> memref<128xi32, #tpu.memory_space<vmem>>
      %dma_start3A_75 = arith.constant 0 : i32
      %dma_start3A_76 = arith.constant 0 : i32
      %dma_start3A_77 = tpu.memref_slice %arg10[%dma_start3A_75, %dma_start3A_76] : memref<1000000x64xf32, #tpu.memory_space<hbm>> -> memref<1000000x64xf32, #tpu.memory_space<hbm>>
      tpu.enqueue_indirect_dma source(%dma_start3A_77 : memref<1000000x64xf32, #tpu.memory_space<hbm>>) target(%dma_start3A_73 : memref<128x64xf32, #tpu.memory_space<vmem>>) offsets(%dma_start3A_74 : memref<128xi32, #tpu.memory_space<vmem>>) semaphore(%arg19 : memref<!tpu.dma_semaphore, #tpu.memory_space<semaphore_mem>>)
      %dma_wait3A = tpu.memref_slice %arg12[%mul3A_13] : memref<512xi32, #tpu.memory_space<vmem>> -> memref<128xi32, #tpu.memory_space<vmem>>
      %dma_wait3A_78 = arith.constant 0 : i32
      %dma_wait3A_79 = arith.constant 0 : i32
      %dma_wait3A_80 = tpu.memref_slice %arg9[%dma_wait3A_78, %dma_wait3A_79] : memref<1000000x64xf32, #tpu.memory_space<hbm>> -> memref<1000000x64xf32, #tpu.memory_space<hbm>>
      tpu.wait_indirect_dma semaphore(%arg19 : memref<!tpu.dma_semaphore, #tpu.memory_space<semaphore_mem>>) src(%dma_wait3A_80 : memref<1000000x64xf32, #tpu.memory_space<hbm>>) dst(%arg15 : memref<128x64xf32, #tpu.memory_space<vmem>>)
      %dma_wait3A_81 = tpu.memref_slice %arg13[%mul3A_18] : memref<512xi32, #tpu.memory_space<vmem>> -> memref<128xi32, #tpu.memory_space<vmem>>
      %dma_wait3A_82 = arith.constant 0 : i32
      %dma_wait3A_83 = arith.constant 0 : i32
      %dma_wait3A_84 = tpu.memref_slice %arg10[%dma_wait3A_82, %dma_wait3A_83] : memref<1000000x64xf32, #tpu.memory_space<hbm>> -> memref<1000000x64xf32, #tpu.memory_space<hbm>>
      tpu.wait_indirect_dma semaphore(%arg19 : memref<!tpu.dma_semaphore, #tpu.memory_space<semaphore_mem>>) src(%dma_wait3A_84 : memref<1000000x64xf32, #tpu.memory_space<hbm>>) dst(%arg16 : memref<128x64xf32, #tpu.memory_space<vmem>>)
      %dma_wait3A_85 = arith.constant 0 : i32
      %dma_wait3A_86 = arith.constant 0 : i32
      %dma_wait3A_87 = tpu.memref_slice %arg17[%dma_wait3A_85, %dma_wait3A_86] : memref<640x64xf32, #tpu.memory_space<vmem>> -> memref<128x64xf32, #tpu.memory_space<vmem>>
      %dma_wait3A_88 = tpu.memref_slice %arg14[%add3A_26] : memref<2560xi32, #tpu.memory_space<vmem>> -> memref<128xi32, #tpu.memory_space<vmem>>
      %dma_wait3A_89 = arith.constant 0 : i32
      %dma_wait3A_90 = arith.constant 0 : i32
      %dma_wait3A_91 = tpu.memref_slice %arg10[%dma_wait3A_89, %dma_wait3A_90] : memref<1000000x64xf32, #tpu.memory_space<hbm>> -> memref<1000000x64xf32, #tpu.memory_space<hbm>>
      tpu.wait_indirect_dma semaphore(%arg19 : memref<!tpu.dma_semaphore, #tpu.memory_space<semaphore_mem>>) src(%dma_wait3A_91 : memref<1000000x64xf32, #tpu.memory_space<hbm>>) dst(%dma_wait3A_87 : memref<128x64xf32, #tpu.memory_space<vmem>>)
      %dma_wait3A_92 = arith.constant 128 : i32
      %dma_wait3A_93 = arith.constant 0 : i32
      %dma_wait3A_94 = tpu.memref_slice %arg17[%dma_wait3A_92, %dma_wait3A_93] : memref<640x64xf32, #tpu.memory_space<vmem>> -> memref<128x64xf32, #tpu.memory_space<vmem>>
      %dma_wait3A_95 = tpu.memref_slice %arg14[%add3A_37] : memref<2560xi32, #tpu.memory_space<vmem>> -> memref<128xi32, #tpu.memory_space<vmem>>
      %dma_wait3A_96 = arith.constant 0 : i32
      %dma_wait3A_97 = arith.constant 0 : i32
      %dma_wait3A_98 = tpu.memref_slice %arg10[%dma_wait3A_96, %dma_wait3A_97] : memref<1000000x64xf32, #tpu.memory_space<hbm>> -> memref<1000000x64xf32, #tpu.memory_space<hbm>>
      tpu.wait_indirect_dma semaphore(%arg19 : memref<!tpu.dma_semaphore, #tpu.memory_space<semaphore_mem>>) src(%dma_wait3A_98 : memref<1000000x64xf32, #tpu.memory_space<hbm>>) dst(%dma_wait3A_94 : memref<128x64xf32, #tpu.memory_space<vmem>>)
      %dma_wait3A_99 = arith.constant 256 : i32
      %dma_wait3A_100 = arith.constant 0 : i32
      %dma_wait3A_101 = tpu.memref_slice %arg17[%dma_wait3A_99, %dma_wait3A_100] : memref<640x64xf32, #tpu.memory_space<vmem>> -> memref<128x64xf32, #tpu.memory_space<vmem>>
      %dma_wait3A_102 = tpu.memref_slice %arg14[%add3A_48] : memref<2560xi32, #tpu.memory_space<vmem>> -> memref<128xi32, #tpu.memory_space<vmem>>
      %dma_wait3A_103 = arith.constant 0 : i32
      %dma_wait3A_104 = arith.constant 0 : i32
      %dma_wait3A_105 = tpu.memref_slice %arg10[%dma_wait3A_103, %dma_wait3A_104] : memref<1000000x64xf32, #tpu.memory_space<hbm>> -> memref<1000000x64xf32, #tpu.memory_space<hbm>>
      tpu.wait_indirect_dma semaphore(%arg19 : memref<!tpu.dma_semaphore, #tpu.memory_space<semaphore_mem>>) src(%dma_wait3A_105 : memref<1000000x64xf32, #tpu.memory_space<hbm>>) dst(%dma_wait3A_101 : memref<128x64xf32, #tpu.memory_space<vmem>>)
      %dma_wait3A_106 = arith.constant 384 : i32
      %dma_wait3A_107 = arith.constant 0 : i32
      %dma_wait3A_108 = tpu.memref_slice %arg17[%dma_wait3A_106, %dma_wait3A_107] : memref<640x64xf32, #tpu.memory_space<vmem>> -> memref<128x64xf32, #tpu.memory_space<vmem>>
      %dma_wait3A_109 = tpu.memref_slice %arg14[%add3A_59] : memref<2560xi32, #tpu.memory_space<vmem>> -> memref<128xi32, #tpu.memory_space<vmem>>
      %dma_wait3A_110 = arith.constant 0 : i32
      %dma_wait3A_111 = arith.constant 0 : i32
      %dma_wait3A_112 = tpu.memref_slice %arg10[%dma_wait3A_110, %dma_wait3A_111] : memref<1000000x64xf32, #tpu.memory_space<hbm>> -> memref<1000000x64xf32, #tpu.memory_space<hbm>>
      tpu.wait_indirect_dma semaphore(%arg19 : memref<!tpu.dma_semaphore, #tpu.memory_space<semaphore_mem>>) src(%dma_wait3A_112 : memref<1000000x64xf32, #tpu.memory_space<hbm>>) dst(%dma_wait3A_108 : memref<128x64xf32, #tpu.memory_space<vmem>>)
      %dma_wait3A_113 = arith.constant 512 : i32
      %dma_wait3A_114 = arith.constant 0 : i32
      %dma_wait3A_115 = tpu.memref_slice %arg17[%dma_wait3A_113, %dma_wait3A_114] : memref<640x64xf32, #tpu.memory_space<vmem>> -> memref<128x64xf32, #tpu.memory_space<vmem>>
      %dma_wait3A_116 = tpu.memref_slice %arg14[%add3A_70] : memref<2560xi32, #tpu.memory_space<vmem>> -> memref<128xi32, #tpu.memory_space<vmem>>
      %dma_wait3A_117 = arith.constant 0 : i32
      %dma_wait3A_118 = arith.constant 0 : i32
      %dma_wait3A_119 = tpu.memref_slice %arg10[%dma_wait3A_117, %dma_wait3A_118] : memref<1000000x64xf32, #tpu.memory_space<hbm>> -> memref<1000000x64xf32, #tpu.memory_space<hbm>>
      tpu.wait_indirect_dma semaphore(%arg19 : memref<!tpu.dma_semaphore, #tpu.memory_space<semaphore_mem>>) src(%dma_wait3A_119 : memref<1000000x64xf32, #tpu.memory_space<hbm>>) dst(%dma_wait3A_115 : memref<128x64xf32, #tpu.memory_space<vmem>>)
      %scan3A_120 = arith.constant 0 : i32
      %scan3A_121 = arith.constant 8 : i32
      %scan3A_122 = arith.addi %scan3A_120, %scan3A_121 : i32
      %scan3A_123 = arith.constant 1 : i32
      %scan3A_124 = scf.for %scan3A_126 = %scan3A_120 to %scan3A_122 step %scan3A_123 iter_args(%scan3A_127 = %scan3A_11) -> (vector<16xf32>)  : i32 {
        %mul3A_128 = arith.constant 16 : i32
        %mul3A_129 = arith.muli %scan3A_126, %mul3A_128 : i32
        %add3A_130 = vector.broadcast %mul3A_129 : i32 to vector<16xi32>
        %add3A_131 = arith.addi %iota3A, %add3A_130 : vector<16xi32>
        %scan3A_132 = arith.constant 0 : i32
        %scan3A_133 = arith.constant 64 : i32
        %scan3A_134 = arith.addi %scan3A_132, %scan3A_133 : i32
        %scan3A_135 = arith.constant 1 : i32
        %scan3A_136:6 = scf.for %scan3A_393 = %scan3A_132 to %scan3A_134 step %scan3A_135 iter_args(%scan3A_394 = %broadcast_in_dim3A_3, %scan3A_395 = %broadcast_in_dim3A_3, %scan3A_396 = %broadcast_in_dim3A_3, %scan3A_397 = %broadcast_in_dim3A_3, %scan3A_398 = %broadcast_in_dim3A_3, %scan3A_399 = %broadcast_in_dim3A_3) -> (vector<16xf32>, vector<16xf32>, vector<16xf32>, vector<16xf32>, vector<16xf32>, vector<16xf32>)  : i32 {
          %broadcast_in_dim3A_400 = vector.broadcast %scan3A_393 : i32 to vector<16xi32>
          %gather3A = tpu.vector_load_idx %arg15[%add3A_131, %broadcast_in_dim3A_400] : memref<128x64xf32, #tpu.memory_space<vmem>>[vector<16xi32>, vector<16xi32>], vector<16xf32>,
          %gather3A_401 = tpu.vector_load_idx %arg16[%add3A_131, %broadcast_in_dim3A_400] : memref<128x64xf32, #tpu.memory_space<vmem>>[vector<16xi32>, vector<16xi32>], vector<16xf32>,
          %mul3A_402 = arith.mulf %gather3A, %gather3A_401 : vector<16xf32>
          %add3A_403 = arith.addf %scan3A_394, %mul3A_402 : vector<16xf32>
          %add3A_404 = arith.constant 0 : i32
          %add3A_405 = vector.broadcast %add3A_404 : i32 to vector<16xi32>
          %add3A_406 = arith.addi %add3A_131, %add3A_405 : vector<16xi32>
          %gather3A_407 = tpu.vector_load_idx %arg17[%add3A_406, %broadcast_in_dim3A_400] : memref<640x64xf32, #tpu.memory_space<vmem>>[vector<16xi32>, vector<16xi32>], vector<16xf32>,
          %mul3A_408 = arith.mulf %gather3A_407, %gather3A : vector<16xf32>
          %add3A_409 = arith.addf %scan3A_395, %mul3A_408 : vector<16xf32>
          %add3A_410 = arith.constant 128 : i32
          %add3A_411 = vector.broadcast %add3A_410 : i32 to vector<16xi32>
          %add3A_412 = arith.addi %add3A_131, %add3A_411 : vector<16xi32>
          %gather3A_413 = tpu.vector_load_idx %arg17[%add3A_412, %broadcast_in_dim3A_400] : memref<640x64xf32, #tpu.memory_space<vmem>>[vector<16xi32>, vector<16xi32>], vector<16xf32>,
          %mul3A_414 = arith.mulf %gather3A_413, %gather3A : vector<16xf32>
          %add3A_415 = arith.addf %scan3A_396, %mul3A_414 : vector<16xf32>
          %add3A_416 = arith.constant 256 : i32
          %add3A_417 = vector.broadcast %add3A_416 : i32 to vector<16xi32>
          %add3A_418 = arith.addi %add3A_131, %add3A_417 : vector<16xi32>
          %gather3A_419 = tpu.vector_load_idx %arg17[%add3A_418, %broadcast_in_dim3A_400] : memref<640x64xf32, #tpu.memory_space<vmem>>[vector<16xi32>, vector<16xi32>], vector<16xf32>,
          %mul3A_420 = arith.mulf %gather3A_419, %gather3A : vector<16xf32>
          %add3A_421 = arith.addf %scan3A_397, %mul3A_420 : vector<16xf32>
          %add3A_422 = arith.constant 384 : i32
          %add3A_423 = vector.broadcast %add3A_422 : i32 to vector<16xi32>
          %add3A_424 = arith.addi %add3A_131, %add3A_423 : vector<16xi32>
          %gather3A_425 = tpu.vector_load_idx %arg17[%add3A_424, %broadcast_in_dim3A_400] : memref<640x64xf32, #tpu.memory_space<vmem>>[vector<16xi32>, vector<16xi32>], vector<16xf32>,
          %mul3A_426 = arith.mulf %gather3A_425, %gather3A : vector<16xf32>
          %add3A_427 = arith.addf %scan3A_398, %mul3A_426 : vector<16xf32>
          %add3A_428 = arith.constant 512 : i32
          %add3A_429 = vector.broadcast %add3A_428 : i32 to vector<16xi32>
          %add3A_430 = arith.addi %add3A_131, %add3A_429 : vector<16xi32>
          %gather3A_431 = tpu.vector_load_idx %arg17[%add3A_430, %broadcast_in_dim3A_400] : memref<640x64xf32, #tpu.memory_space<vmem>>[vector<16xi32>, vector<16xi32>], vector<16xf32>,
          %mul3A_432 = arith.mulf %gather3A_431, %gather3A : vector<16xf32>
          %add3A_433 = arith.addf %scan3A_399, %mul3A_432 : vector<16xf32>
          scf.yield %add3A_403, %add3A_409, %add3A_415, %add3A_421, %add3A_427, %add3A_433 : vector<16xf32>, vector<16xf32>, vector<16xf32>, vector<16xf32>, vector<16xf32>, vector<16xf32>
        }
        %scan3A_137 = arith.constant 64 : i32
        %min3A = arith.constant 0.000000e+00 : f32
        %min3A_138 = vector.broadcast %min3A : f32 to vector<16xf32>
        %min3A_139 = arith.minimumf %scan3A_136#0, %min3A_138 : vector<16xf32>
        %abs3A = math.absf %scan3A_136#0 : vector<16xf32>
        %neg3A = arith.constant 0.000000e+00 : f32
        %neg3A_140 = vector.broadcast %neg3A : f32 to vector<16xf32>
        %neg3A_141 = arith.subf %neg3A_140, %abs3A : vector<16xf32>
        %exp3A = math.exp %neg3A_141 : vector<16xf32>
        %add3A_142 = arith.constant 2.000000e+00 : f32
        %add3A_143 = vector.broadcast %add3A_142 : f32 to vector<16xf32>
        %add3A_144 = arith.addf %exp3A, %add3A_143 : vector<16xf32>
        %div3A = arith.divf %exp3A, %add3A_144 : vector<16xf32>
        %mul3A_145 = arith.mulf %div3A, %div3A : vector<16xf32>
        %mul3A_146 = arith.constant 0.0909090936 : f32
        %mul3A_147 = vector.broadcast %mul3A_146 : f32 to vector<16xf32>
        %mul3A_148 = arith.mulf %mul3A_145, %mul3A_147 : vector<16xf32>
        %add3A_149 = arith.constant 0.111111112 : f32
        %add3A_150 = vector.broadcast %add3A_149 : f32 to vector<16xf32>
        %add3A_151 = arith.addf %add3A_150, %mul3A_148 : vector<16xf32>
        %mul3A_152 = arith.mulf %mul3A_145, %add3A_151 : vector<16xf32>
        %add3A_153 = arith.constant 0.142857149 : f32
        %add3A_154 = vector.broadcast %add3A_153 : f32 to vector<16xf32>
        %add3A_155 = arith.addf %add3A_154, %mul3A_152 : vector<16xf32>
        %mul3A_156 = arith.mulf %mul3A_145, %add3A_155 : vector<16xf32>
        %add3A_157 = arith.constant 2.000000e-01 : f32
        %add3A_158 = vector.broadcast %add3A_157 : f32 to vector<16xf32>
        %add3A_159 = arith.addf %add3A_158, %mul3A_156 : vector<16xf32>
        %mul3A_160 = arith.mulf %mul3A_145, %add3A_159 : vector<16xf32>
        %add3A_161 = arith.constant 0.333333343 : f32
        %add3A_162 = vector.broadcast %add3A_161 : f32 to vector<16xf32>
        %add3A_163 = arith.addf %add3A_162, %mul3A_160 : vector<16xf32>
        %mul3A_164 = arith.mulf %mul3A_145, %add3A_163 : vector<16xf32>
        %add3A_165 = arith.constant 1.000000e+00 : f32
        %add3A_166 = vector.broadcast %add3A_165 : f32 to vector<16xf32>
        %add3A_167 = arith.addf %add3A_166, %mul3A_164 : vector<16xf32>
        %mul3A_168 = arith.mulf %div3A, %add3A_167 : vector<16xf32>
        %mul3A_169 = arith.constant 2.000000e+00 : f32
        %mul3A_170 = vector.broadcast %mul3A_169 : f32 to vector<16xf32>
        %mul3A_171 = arith.mulf %mul3A_170, %mul3A_168 : vector<16xf32>
        %sub3A = arith.subf %min3A_139, %mul3A_171 : vector<16xf32>
        %add3A_172 = arith.addf %scan3A_127, %sub3A : vector<16xf32>
        %neg3A_173 = arith.constant 0.000000e+00 : f32
        %neg3A_174 = vector.broadcast %neg3A_173 : f32 to vector<16xf32>
        %neg3A_175 = arith.subf %neg3A_174, %scan3A_136#1 : vector<16xf32>
        %min3A_176 = arith.constant 0.000000e+00 : f32
        %min3A_177 = vector.broadcast %min3A_176 : f32 to vector<16xf32>
        %min3A_178 = arith.minimumf %neg3A_175, %min3A_177 : vector<16xf32>
        %abs3A_179 = math.absf %neg3A_175 : vector<16xf32>
        %neg3A_180 = arith.constant 0.000000e+00 : f32
        %neg3A_181 = vector.broadcast %neg3A_180 : f32 to vector<16xf32>
        %neg3A_182 = arith.subf %neg3A_181, %abs3A_179 : vector<16xf32>
        %exp3A_183 = math.exp %neg3A_182 : vector<16xf32>
        %add3A_184 = arith.constant 2.000000e+00 : f32
        %add3A_185 = vector.broadcast %add3A_184 : f32 to vector<16xf32>
        %add3A_186 = arith.addf %exp3A_183, %add3A_185 : vector<16xf32>
        %div3A_187 = arith.divf %exp3A_183, %add3A_186 : vector<16xf32>
        %mul3A_188 = arith.mulf %div3A_187, %div3A_187 : vector<16xf32>
        %mul3A_189 = arith.constant 0.0909090936 : f32
        %mul3A_190 = vector.broadcast %mul3A_189 : f32 to vector<16xf32>
        %mul3A_191 = arith.mulf %mul3A_188, %mul3A_190 : vector<16xf32>
        %add3A_192 = arith.constant 0.111111112 : f32
        %add3A_193 = vector.broadcast %add3A_192 : f32 to vector<16xf32>
        %add3A_194 = arith.addf %add3A_193, %mul3A_191 : vector<16xf32>
        %mul3A_195 = arith.mulf %mul3A_188, %add3A_194 : vector<16xf32>
        %add3A_196 = arith.constant 0.142857149 : f32
        %add3A_197 = vector.broadcast %add3A_196 : f32 to vector<16xf32>
        %add3A_198 = arith.addf %add3A_197, %mul3A_195 : vector<16xf32>
        %mul3A_199 = arith.mulf %mul3A_188, %add3A_198 : vector<16xf32>
        %add3A_200 = arith.constant 2.000000e-01 : f32
        %add3A_201 = vector.broadcast %add3A_200 : f32 to vector<16xf32>
        %add3A_202 = arith.addf %add3A_201, %mul3A_199 : vector<16xf32>
        %mul3A_203 = arith.mulf %mul3A_188, %add3A_202 : vector<16xf32>
        %add3A_204 = arith.constant 0.333333343 : f32
        %add3A_205 = vector.broadcast %add3A_204 : f32 to vector<16xf32>
        %add3A_206 = arith.addf %add3A_205, %mul3A_203 : vector<16xf32>
        %mul3A_207 = arith.mulf %mul3A_188, %add3A_206 : vector<16xf32>
        %add3A_208 = arith.constant 1.000000e+00 : f32
        %add3A_209 = vector.broadcast %add3A_208 : f32 to vector<16xf32>
        %add3A_210 = arith.addf %add3A_209, %mul3A_207 : vector<16xf32>
        %mul3A_211 = arith.mulf %div3A_187, %add3A_210 : vector<16xf32>
        %mul3A_212 = arith.constant 2.000000e+00 : f32
        %mul3A_213 = vector.broadcast %mul3A_212 : f32 to vector<16xf32>
        %mul3A_214 = arith.mulf %mul3A_213, %mul3A_211 : vector<16xf32>
        %sub3A_215 = arith.subf %min3A_178, %mul3A_214 : vector<16xf32>
        %add3A_216 = arith.addf %add3A_172, %sub3A_215 : vector<16xf32>
        %neg3A_217 = arith.constant 0.000000e+00 : f32
        %neg3A_218 = vector.broadcast %neg3A_217 : f32 to vector<16xf32>
        %neg3A_219 = arith.subf %neg3A_218, %scan3A_136#2 : vector<16xf32>
        %min3A_220 = arith.constant 0.000000e+00 : f32
        %min3A_221 = vector.broadcast %min3A_220 : f32 to vector<16xf32>
        %min3A_222 = arith.minimumf %neg3A_219, %min3A_221 : vector<16xf32>
        %abs3A_223 = math.absf %neg3A_219 : vector<16xf32>
        %neg3A_224 = arith.constant 0.000000e+00 : f32
        %neg3A_225 = vector.broadcast %neg3A_224 : f32 to vector<16xf32>
        %neg3A_226 = arith.subf %neg3A_225, %abs3A_223 : vector<16xf32>
        %exp3A_227 = math.exp %neg3A_226 : vector<16xf32>
        %add3A_228 = arith.constant 2.000000e+00 : f32
        %add3A_229 = vector.broadcast %add3A_228 : f32 to vector<16xf32>
        %add3A_230 = arith.addf %exp3A_227, %add3A_229 : vector<16xf32>
        %div3A_231 = arith.divf %exp3A_227, %add3A_230 : vector<16xf32>
        %mul3A_232 = arith.mulf %div3A_231, %div3A_231 : vector<16xf32>
        %mul3A_233 = arith.constant 0.0909090936 : f32
        %mul3A_234 = vector.broadcast %mul3A_233 : f32 to vector<16xf32>
        %mul3A_235 = arith.mulf %mul3A_232, %mul3A_234 : vector<16xf32>
        %add3A_236 = arith.constant 0.111111112 : f32
        %add3A_237 = vector.broadcast %add3A_236 : f32 to vector<16xf32>
        %add3A_238 = arith.addf %add3A_237, %mul3A_235 : vector<16xf32>
        %mul3A_239 = arith.mulf %mul3A_232, %add3A_238 : vector<16xf32>
        %add3A_240 = arith.constant 0.142857149 : f32
        %add3A_241 = vector.broadcast %add3A_240 : f32 to vector<16xf32>
        %add3A_242 = arith.addf %add3A_241, %mul3A_239 : vector<16xf32>
        %mul3A_243 = arith.mulf %mul3A_232, %add3A_242 : vector<16xf32>
        %add3A_244 = arith.constant 2.000000e-01 : f32
        %add3A_245 = vector.broadcast %add3A_244 : f32 to vector<16xf32>
        %add3A_246 = arith.addf %add3A_245, %mul3A_243 : vector<16xf32>
        %mul3A_247 = arith.mulf %mul3A_232, %add3A_246 : vector<16xf32>
        %add3A_248 = arith.constant 0.333333343 : f32
        %add3A_249 = vector.broadcast %add3A_248 : f32 to vector<16xf32>
        %add3A_250 = arith.addf %add3A_249, %mul3A_247 : vector<16xf32>
        %mul3A_251 = arith.mulf %mul3A_232, %add3A_250 : vector<16xf32>
        %add3A_252 = arith.constant 1.000000e+00 : f32
        %add3A_253 = vector.broadcast %add3A_252 : f32 to vector<16xf32>
        %add3A_254 = arith.addf %add3A_253, %mul3A_251 : vector<16xf32>
        %mul3A_255 = arith.mulf %div3A_231, %add3A_254 : vector<16xf32>
        %mul3A_256 = arith.constant 2.000000e+00 : f32
        %mul3A_257 = vector.broadcast %mul3A_256 : f32 to vector<16xf32>
        %mul3A_258 = arith.mulf %mul3A_257, %mul3A_255 : vector<16xf32>
        %sub3A_259 = arith.subf %min3A_222, %mul3A_258 : vector<16xf32>
        %add3A_260 = arith.addf %add3A_216, %sub3A_259 : vector<16xf32>
        %neg3A_261 = arith.constant 0.000000e+00 : f32
        %neg3A_262 = vector.broadcast %neg3A_261 : f32 to vector<16xf32>
        %neg3A_263 = arith.subf %neg3A_262, %scan3A_136#3 : vector<16xf32>
        %min3A_264 = arith.constant 0.000000e+00 : f32
        %min3A_265 = vector.broadcast %min3A_264 : f32 to vector<16xf32>
        %min3A_266 = arith.minimumf %neg3A_263, %min3A_265 : vector<16xf32>
        %abs3A_267 = math.absf %neg3A_263 : vector<16xf32>
        %neg3A_268 = arith.constant 0.000000e+00 : f32
        %neg3A_269 = vector.broadcast %neg3A_268 : f32 to vector<16xf32>
        %neg3A_270 = arith.subf %neg3A_269, %abs3A_267 : vector<16xf32>
        %exp3A_271 = math.exp %neg3A_270 : vector<16xf32>
        %add3A_272 = arith.constant 2.000000e+00 : f32
        %add3A_273 = vector.broadcast %add3A_272 : f32 to vector<16xf32>
        %add3A_274 = arith.addf %exp3A_271, %add3A_273 : vector<16xf32>
        %div3A_275 = arith.divf %exp3A_271, %add3A_274 : vector<16xf32>
        %mul3A_276 = arith.mulf %div3A_275, %div3A_275 : vector<16xf32>
        %mul3A_277 = arith.constant 0.0909090936 : f32
        %mul3A_278 = vector.broadcast %mul3A_277 : f32 to vector<16xf32>
        %mul3A_279 = arith.mulf %mul3A_276, %mul3A_278 : vector<16xf32>
        %add3A_280 = arith.constant 0.111111112 : f32
        %add3A_281 = vector.broadcast %add3A_280 : f32 to vector<16xf32>
        %add3A_282 = arith.addf %add3A_281, %mul3A_279 : vector<16xf32>
        %mul3A_283 = arith.mulf %mul3A_276, %add3A_282 : vector<16xf32>
        %add3A_284 = arith.constant 0.142857149 : f32
        %add3A_285 = vector.broadcast %add3A_284 : f32 to vector<16xf32>
        %add3A_286 = arith.addf %add3A_285, %mul3A_283 : vector<16xf32>
        %mul3A_287 = arith.mulf %mul3A_276, %add3A_286 : vector<16xf32>
        %add3A_288 = arith.constant 2.000000e-01 : f32
        %add3A_289 = vector.broadcast %add3A_288 : f32 to vector<16xf32>
        %add3A_290 = arith.addf %add3A_289, %mul3A_287 : vector<16xf32>
        %mul3A_291 = arith.mulf %mul3A_276, %add3A_290 : vector<16xf32>
        %add3A_292 = arith.constant 0.333333343 : f32
        %add3A_293 = vector.broadcast %add3A_292 : f32 to vector<16xf32>
        %add3A_294 = arith.addf %add3A_293, %mul3A_291 : vector<16xf32>
        %mul3A_295 = arith.mulf %mul3A_276, %add3A_294 : vector<16xf32>
        %add3A_296 = arith.constant 1.000000e+00 : f32
        %add3A_297 = vector.broadcast %add3A_296 : f32 to vector<16xf32>
        %add3A_298 = arith.addf %add3A_297, %mul3A_295 : vector<16xf32>
        %mul3A_299 = arith.mulf %div3A_275, %add3A_298 : vector<16xf32>
        %mul3A_300 = arith.constant 2.000000e+00 : f32
        %mul3A_301 = vector.broadcast %mul3A_300 : f32 to vector<16xf32>
        %mul3A_302 = arith.mulf %mul3A_301, %mul3A_299 : vector<16xf32>
        %sub3A_303 = arith.subf %min3A_266, %mul3A_302 : vector<16xf32>
        %add3A_304 = arith.addf %add3A_260, %sub3A_303 : vector<16xf32>
        %neg3A_305 = arith.constant 0.000000e+00 : f32
        %neg3A_306 = vector.broadcast %neg3A_305 : f32 to vector<16xf32>
        %neg3A_307 = arith.subf %neg3A_306, %scan3A_136#4 : vector<16xf32>
        %min3A_308 = arith.constant 0.000000e+00 : f32
        %min3A_309 = vector.broadcast %min3A_308 : f32 to vector<16xf32>
        %min3A_310 = arith.minimumf %neg3A_307, %min3A_309 : vector<16xf32>
        %abs3A_311 = math.absf %neg3A_307 : vector<16xf32>
        %neg3A_312 = arith.constant 0.000000e+00 : f32
        %neg3A_313 = vector.broadcast %neg3A_312 : f32 to vector<16xf32>
        %neg3A_314 = arith.subf %neg3A_313, %abs3A_311 : vector<16xf32>
        %exp3A_315 = math.exp %neg3A_314 : vector<16xf32>
        %add3A_316 = arith.constant 2.000000e+00 : f32
        %add3A_317 = vector.broadcast %add3A_316 : f32 to vector<16xf32>
        %add3A_318 = arith.addf %exp3A_315, %add3A_317 : vector<16xf32>
        %div3A_319 = arith.divf %exp3A_315, %add3A_318 : vector<16xf32>
        %mul3A_320 = arith.mulf %div3A_319, %div3A_319 : vector<16xf32>
        %mul3A_321 = arith.constant 0.0909090936 : f32
        %mul3A_322 = vector.broadcast %mul3A_321 : f32 to vector<16xf32>
        %mul3A_323 = arith.mulf %mul3A_320, %mul3A_322 : vector<16xf32>
        %add3A_324 = arith.constant 0.111111112 : f32
        %add3A_325 = vector.broadcast %add3A_324 : f32 to vector<16xf32>
        %add3A_326 = arith.addf %add3A_325, %mul3A_323 : vector<16xf32>
        %mul3A_327 = arith.mulf %mul3A_320, %add3A_326 : vector<16xf32>
        %add3A_328 = arith.constant 0.142857149 : f32
        %add3A_329 = vector.broadcast %add3A_328 : f32 to vector<16xf32>
        %add3A_330 = arith.addf %add3A_329, %mul3A_327 : vector<16xf32>
        %mul3A_331 = arith.mulf %mul3A_320, %add3A_330 : vector<16xf32>
        %add3A_332 = arith.constant 2.000000e-01 : f32
        %add3A_333 = vector.broadcast %add3A_332 : f32 to vector<16xf32>
        %add3A_334 = arith.addf %add3A_333, %mul3A_331 : vector<16xf32>
        %mul3A_335 = arith.mulf %mul3A_320, %add3A_334 : vector<16xf32>
        %add3A_336 = arith.constant 0.333333343 : f32
        %add3A_337 = vector.broadcast %add3A_336 : f32 to vector<16xf32>
        %add3A_338 = arith.addf %add3A_337, %mul3A_335 : vector<16xf32>
        %mul3A_339 = arith.mulf %mul3A_320, %add3A_338 : vector<16xf32>
        %add3A_340 = arith.constant 1.000000e+00 : f32
        %add3A_341 = vector.broadcast %add3A_340 : f32 to vector<16xf32>
        %add3A_342 = arith.addf %add3A_341, %mul3A_339 : vector<16xf32>
        %mul3A_343 = arith.mulf %div3A_319, %add3A_342 : vector<16xf32>
        %mul3A_344 = arith.constant 2.000000e+00 : f32
        %mul3A_345 = vector.broadcast %mul3A_344 : f32 to vector<16xf32>
        %mul3A_346 = arith.mulf %mul3A_345, %mul3A_343 : vector<16xf32>
        %sub3A_347 = arith.subf %min3A_310, %mul3A_346 : vector<16xf32>
        %add3A_348 = arith.addf %add3A_304, %sub3A_347 : vector<16xf32>
        %neg3A_349 = arith.constant 0.000000e+00 : f32
        %neg3A_350 = vector.broadcast %neg3A_349 : f32 to vector<16xf32>
        %neg3A_351 = arith.subf %neg3A_350, %scan3A_136#5 : vector<16xf32>
        %min3A_352 = arith.constant 0.000000e+00 : f32
        %min3A_353 = vector.broadcast %min3A_352 : f32 to vector<16xf32>
        %min3A_354 = arith.minimumf %neg3A_351, %min3A_353 : vector<16xf32>
        %abs3A_355 = math.absf %neg3A_351 : vector<16xf32>
        %neg3A_356 = arith.constant 0.000000e+00 : f32
        %neg3A_357 = vector.broadcast %neg3A_356 : f32 to vector<16xf32>
        %neg3A_358 = arith.subf %neg3A_357, %abs3A_355 : vector<16xf32>
        %exp3A_359 = math.exp %neg3A_358 : vector<16xf32>
        %add3A_360 = arith.constant 2.000000e+00 : f32
        %add3A_361 = vector.broadcast %add3A_360 : f32 to vector<16xf32>
        %add3A_362 = arith.addf %exp3A_359, %add3A_361 : vector<16xf32>
        %div3A_363 = arith.divf %exp3A_359, %add3A_362 : vector<16xf32>
        %mul3A_364 = arith.mulf %div3A_363, %div3A_363 : vector<16xf32>
        %mul3A_365 = arith.constant 0.0909090936 : f32
        %mul3A_366 = vector.broadcast %mul3A_365 : f32 to vector<16xf32>
        %mul3A_367 = arith.mulf %mul3A_364, %mul3A_366 : vector<16xf32>
        %add3A_368 = arith.constant 0.111111112 : f32
        %add3A_369 = vector.broadcast %add3A_368 : f32 to vector<16xf32>
        %add3A_370 = arith.addf %add3A_369, %mul3A_367 : vector<16xf32>
        %mul3A_371 = arith.mulf %mul3A_364, %add3A_370 : vector<16xf32>
        %add3A_372 = arith.constant 0.142857149 : f32
        %add3A_373 = vector.broadcast %add3A_372 : f32 to vector<16xf32>
        %add3A_374 = arith.addf %add3A_373, %mul3A_371 : vector<16xf32>
        %mul3A_375 = arith.mulf %mul3A_364, %add3A_374 : vector<16xf32>
        %add3A_376 = arith.constant 2.000000e-01 : f32
        %add3A_377 = vector.broadcast %add3A_376 : f32 to vector<16xf32>
        %add3A_378 = arith.addf %add3A_377, %mul3A_375 : vector<16xf32>
        %mul3A_379 = arith.mulf %mul3A_364, %add3A_378 : vector<16xf32>
        %add3A_380 = arith.constant 0.333333343 : f32
        %add3A_381 = vector.broadcast %add3A_380 : f32 to vector<16xf32>
        %add3A_382 = arith.addf %add3A_381, %mul3A_379 : vector<16xf32>
        %mul3A_383 = arith.mulf %mul3A_364, %add3A_382 : vector<16xf32>
        %add3A_384 = arith.constant 1.000000e+00 : f32
        %add3A_385 = vector.broadcast %add3A_384 : f32 to vector<16xf32>
        %add3A_386 = arith.addf %add3A_385, %mul3A_383 : vector<16xf32>
        %mul3A_387 = arith.mulf %div3A_363, %add3A_386 : vector<16xf32>
        %mul3A_388 = arith.constant 2.000000e+00 : f32
        %mul3A_389 = vector.broadcast %mul3A_388 : f32 to vector<16xf32>
        %mul3A_390 = arith.mulf %mul3A_389, %mul3A_387 : vector<16xf32>
        %sub3A_391 = arith.subf %min3A_354, %mul3A_390 : vector<16xf32>
        %add3A_392 = arith.addf %add3A_348, %sub3A_391 : vector<16xf32>
        scf.yield %add3A_392 : vector<16xf32>
      }
      %scan3A_125 = arith.constant 8 : i32
      scf.yield %scan3A_124 : vector<16xf32>
    }
    %scan3A_8 = arith.constant 4 : i32
    %swap3A = arith.constant 0 : index
    %swap3A_9 = tpu.vector_load %arg18[%swap3A] {strides = array<i32>} : memref<16xf32, #tpu.memory_space<vmem>>, vector<16xf32>,
    tpu.vector_store %arg18[%swap3A], %scan3A_7 {strides = array<i32>} : memref<16xf32, #tpu.memory_space<vmem>>, vector<16xf32>,
    "tpu.region"() ({
      %run_scoped3A = tpu.sem_alloc : memref<!tpu.dma_semaphore, #tpu.memory_space<semaphore_mem>>
      %dma_start3A = arith.constant 0 : i32
      %dma_start3A_10 = tpu.memref_slice %arg11[%add3A, %dma_start3A] : memref<32x16xf32, #tpu.memory_space<hbm>> -> memref<1x16xf32, #tpu.memory_space<hbm>>
      %dma_start3A_11 = tpu.memref_squeeze %dma_start3A_10 : memref<1x16xf32, #tpu.memory_space<hbm>> -> memref<16xf32, #tpu.memory_space<hbm>>
      %dma_start3A_12 = arith.constant 0 : i32
      %dma_start3A_13 = tpu.memref_slice %arg11[%add3A, %dma_start3A_12] : memref<32x16xf32, #tpu.memory_space<hbm>> -> memref<1x16xf32, #tpu.memory_space<hbm>>
      %dma_start3A_14 = tpu.memref_squeeze %dma_start3A_13 : memref<1x16xf32, #tpu.memory_space<hbm>> -> memref<16xf32, #tpu.memory_space<hbm>>
      tpu.enqueue_dma source(%arg18 : memref<16xf32, #tpu.memory_space<vmem>>) target(%dma_start3A_14 : memref<16xf32, #tpu.memory_space<hbm>>) target_semaphore(%run_scoped3A : memref<!tpu.dma_semaphore, #tpu.memory_space<semaphore_mem>>)
      %dma_wait3A = arith.constant 0 : i32
      %dma_wait3A_15 = tpu.memref_slice %arg11[%add3A, %dma_wait3A] : memref<32x16xf32, #tpu.memory_space<hbm>> -> memref<1x16xf32, #tpu.memory_space<hbm>>
      %dma_wait3A_16 = tpu.memref_squeeze %dma_wait3A_15 : memref<1x16xf32, #tpu.memory_space<hbm>> -> memref<16xf32, #tpu.memory_space<hbm>>
      %dma_wait3A_17 = arith.constant 0 : i32
      %dma_wait3A_18 = tpu.memref_slice %arg11[%add3A, %dma_wait3A_17] : memref<32x16xf32, #tpu.memory_space<hbm>> -> memref<1x16xf32, #tpu.memory_space<hbm>>
      %dma_wait3A_19 = tpu.memref_squeeze %dma_wait3A_18 : memref<1x16xf32, #tpu.memory_space<hbm>> -> memref<16xf32, #tpu.memory_space<hbm>>
      tpu.wait_dma2 semaphore(%run_scoped3A : memref<!tpu.dma_semaphore, #tpu.memory_space<semaphore_mem>>) src(%arg18 : memref<16xf32, #tpu.memory_space<vmem>>) dst(%dma_wait3A_19 : memref<16xf32, #tpu.memory_space<hbm>>)
      tpu.yield
    }) : () -> ()
    return
  }
}

</mosaic_0001>

<sc_bundles>
// kernel: kernel.3.cloned.1.call-start
scs
__scs_entry_jumppad:
0x0: {  	(pc) =	sbr.rel $0x88, $3  }
0x1: {  	(tag) =	ssettag $0x0;
	lr =	simm.s32 $0x1  }
0x2: {  	[smem:$0x3F9C] =	sst lr;
	_ =	strace $0xD0000000  }
0x3: {  	_ = 	snop  }
0x4: {  	_ = 	snop  }
0x5: {  	_ = 	snop  }
0x6: {  	_ = 	snop  }
0x7: {  	_ = 	snop  }
__scs_overlays_trampoline_lowered:
0x8: {  	[smem:$0x3FAB] =	sst s0  }
0x9: {  	[smem:$0x3FAC] =	sst s1  }
0xa: {  	[smem:$0x3FAD] =	sst s2  }
0xb: {  	[smem:$0x3FAE] =	sst s3  }
0xc: {  	[smem:$0x3FAF] =	sst s4  }
0xd: {  	[smem:$0x3FB0] =	sst s5  }
0xe: {  	[smem:$0x3FB1] =	sst s6  }
0xf: {  	[smem:$0x3FB2] =	sst s7  }
0x10: {  	[smem:$0x3FB3] =	sst s8  }
0x11: {  	[smem:$0x3FB4] =	sst s9;
	s0 =	simm.s32 @!p0 $0x0  }
0x12: {  	s1 =	sld [smem:$0x3F9A];
	s0 =	simm.s32 @p0 $0x1  }
0x13: {  	[smem:$0x3FB5] =	sst s0;
	s0 =	simm.s32 @!p1 $0x0  }
0x14: {  	s2 =	sld [smem:$0x3F99];
	s0 =	simm.s32 @p1 $0x1  }
0x15: {  	[smem:$0x3FB6] =	sst s0;
	s0 =	simm.s32 @!p2 $0x0  }
0x16: {  	s3 =	sld [smem:$0x3FDB];
	s0 =	simm.s32 @p2 $0x1  }
0x17: {  	s4 =	simm.s32 $0x1BF5;
	[smem:$0x3FB8] =	sst s0  }
0x18: {  	s0 =	sld [smem:$0x3F9B];
	_ =	swait.ge [sflag:s4], $0x0  }
0x19: {  	s7 =	sld [smem:$0x3F9C]  }
0x1a: {  	s8 =	sadd.s32 $0xFFFFE003, lr  }
0x1b: {  	s9 =	sadd.s32 $0xFFFFFEF7, lr;
	s5 =	simm.s32 $0xFFFFFFFF;
	p2 =	slt.u32 s8, $0xFFFFF086  }
0x1c: {  	p1 =	slt.u32 s9, $0xF7A;
	s5 =	simm.s32 @!p2 $0x0  }
0x1d: {  	s5 =	simm.s32 @p1 $0x1;
	p0 =	seq.s32 s7, s2  }
0x1e: {  	s7 =	smul.u32 @!p0 $0xF7A, s2;
	p2 =	seq.s32 @!p0 s5, $0x0  }
0x1f: {  	s9 =	smul.u32 $0xF7A, s1;
	s8 =	simm.s32 @!p0 $0x1BF5;
	p2 =	por !p2, p0  }
0x20: {  	[sflag:s8] =	ssyncset.s32 @!p0 $0xFFFFF086;
	s6 =	sadd.s32 @!p0 s3, s7;
	s7 =	simm.s32 @!p0 $0x108  }
0x21: {  	s3 =	sadd.s32 s3, s9;
	s6 =	sadd.s32 @!p0 $0x88, s6;
	s7 =	simm.s32 @p2 $0x1082  }
0x22: {  	[simem:s7], [sflag:s8] =	dma.local @!p0 [hbm:s6], $0xF7A  }
0x23: {  	s9 =	sor.u32 $0xD0000000, s2;
	s6 =	simm.s32 $0x108;
	_ =	swait.ge @!p0 [sflag:s8], $0x0  }
0x24: {  	s3 =	sadd.s32 $0x88, s3;
	s6 =	simm.s32 @!p1 $0x1082;
	[sflag:s4] =	ssyncset.s32 $0xFFFFF086  }
0x25: {  	[simem:s6], [sflag:s4] =	dma.local [hbm:s3], $0xF7A  }
0x26: {  	[smem:$0x3F9C] =	sst s1;
	(tag) =	ssettag s2;
	_ =	strace s9  }
0x27: {  	s1 =	sld [smem:$0x3FAC]  }
0x28: {  	s2 =	sld [smem:$0x3FAD]  }
0x29: {  	s4 =	sld [smem:$0x3FAF]  }
0x2a: {  	p0 =	seq.s32 s5, $0x0;
	s5 =	sld [smem:$0x3FB0]  }
0x2b: {  	s6 =	sld [smem:$0x3FB1]  }
0x2c: {  	s7 =	sld [smem:$0x3FB2]  }
0x2d: {  	s3 =	simm.s32 $0x108;
	s8 =	sld [smem:$0x3FB3]  }
0x2e: {  	s3 =	simm.s32 @!p0 $0x1082;
	s9 =	sld [smem:$0x3FB4]  }
0x2f: {  	lr =	sadd.s32 s0, s3;
	s0 =	sld [smem:$0x3FAB]  }
0x30: {  	s3 =	sld [smem:$0x3FAE]  }
0x31: {  	[smem:$0x3FB7] =	sst s10  }
0x32: {  	s10 =	sld [smem:$0x3FB5];
	_ =	sdelay $0x3  }
0x33: {  	p0 =	seq.s32 s10, $0x1;
	s10 =	sld [smem:$0x3FB7];
	_ =	sdelay $0x3  }
0x34: {  	[smem:$0x3FB7] =	sst s10  }
0x35: {  	s10 =	sld [smem:$0x3FB6];
	_ =	sdelay $0x3  }
0x36: {  	p1 =	seq.s32 s10, $0x1;
	s10 =	sld [smem:$0x3FB7];
	_ =	sdelay $0x3  }
0x37: {  	[smem:$0x3FB7] =	sst s10  }
0x38: {  	s10 =	sld [smem:$0x3FB8]  }
0x39: {  	_ = 	snop;
	(pc) =	sbr.ind lr, $3  }
0x3a: {  	_ = 	snop  }
0x3b: {  	_ = 	snop  }
0x3c: {  	p2 =	seq.s32 s10, $0x1;
	s10 =	sld [smem:$0x3FB7]  }
0x3d: {  	_ =	shalt  }
0x3e: {  	_ =	shalt  }
0x3f: {  	_ =	shalt  }
0x40: {  	_ =	shalt  }
0x41: {  	_ =	shalt  }
0x42: {  	_ =	shalt  }
0x43: {  	_ =	shalt  }
0x44: {  	_ =	shalt  }
0x45: {  	_ =	shalt  }
0x46: {  	_ =	shalt  }
0x47: {  	_ =	shalt  }
0x48: {  	_ =	shalt  }
0x49: {  	_ =	shalt  }
0x4a: {  	_ =	shalt  }
0x4b: {  	_ =	shalt  }
0x4c: {  	_ =	shalt  }
0x4d: {  	_ =	shalt  }
0x4e: {  	_ =	shalt  }
0x4f: {  	_ =	shalt  }
0x50: {  	_ =	shalt  }
0x51: {  	_ =	shalt  }
0x52: {  	_ =	shalt  }
0x53: {  	_ =	shalt  }
0x54: {  	_ =	shalt  }
0x55: {  	_ =	shalt  }
0x56: {  	_ =	shalt  }
0x57: {  	_ =	shalt  }
0x58: {  	_ =	shalt  }
0x59: {  	_ =	shalt  }
0x5a: {  	_ =	shalt  }
0x5b: {  	_ =	shalt  }
0x5c: {  	_ =	shalt  }
0x5d: {  	_ =	shalt  }
0x5e: {  	_ =	shalt  }
0x5f: {  	_ =	shalt  }
0x60: {  	_ =	shalt  }
0x61: {  	_ =	shalt  }
0x62: {  	_ =	shalt  }
0x63: {  	_ =	shalt  }
0x64: {  	_ =	shalt  }
0x65: {  	_ =	shalt  }
0x66: {  	_ =	shalt  }
0x67: {  	_ =	shalt  }
0x68: {  	_ =	shalt  }
0x69: {  	_ =	shalt  }
0x6a: {  	_ =	shalt  }
0x6b: {  	_ =	shalt  }
0x6c: {  	_ =	shalt  }
0x6d: {  	_ =	shalt  }
0x6e: {  	_ =	shalt  }
0x6f: {  	_ =	shalt  }
0x70: {  	_ =	shalt  }
0x71: {  	_ =	shalt  }
0x72: {  	_ =	shalt  }
0x73: {  	_ =	shalt  }
0x74: {  	_ =	shalt  }
0x75: {  	_ =	shalt  }
0x76: {  	_ =	shalt  }
0x77: {  	_ =	shalt  }
0x78: {  	_ =	shalt  }
0x79: {  	_ =	shalt  }
0x7a: {  	_ =	shalt  }
0x7b: {  	_ =	shalt  }
0x7c: {  	_ =	shalt  }
0x7d: {  	_ =	shalt  }
0x7e: {  	_ =	shalt  }
0x7f: {  	_ =	shalt  }
0x80: {  	_ =	shalt  }
0x81: {  	_ =	shalt  }
0x82: {  	_ =	shalt  }
0x83: {  	_ =	shalt  }
0x84: {  	_ =	shalt  }
0x85: {  	_ =	shalt  }
0x86: {  	_ =	shalt  }
0x87: {  	_ =	shalt  }
.Lfunc_end0:
.L_simem_size_0:
called_computation_lowered:
.L_overlay_start_0:
0x88: {  	s2 =	sld [smem:$0x3FD9]  }
0x89: {  	s3 =	sld [smem:$0x3FFE];
	_ =	sdelay $0x1  }
0x8a: {  	s1 =	srdreg.scid  }
0x8b: {  	s0 =	sand.u32 $0x1, s1  }
0x8c: {  	s17 =	sshll.u32 s0, $0xA;
	s2 =	sadd.s32 s3, s2  }
0x8d: {  	s2 =	sadd.s32 s2, s17  }
0x8e: {  	[smem:$0x3FC3] =	sst s2  }
0x8f: {  	_ = 	snop  }
0x90: {  	s2 =	sld [smem:$0x3FC9]  }
0x91: {  	s18 =	sld [smem:$0x3FC8];
	(tm) =	ssettm $0x1  }
0x92: {  	s4 =	sld [smem:$0x3FFB];
	_ =	sdelay $0x3  }
0x93: {  	_ =	strace s4  }
0x94: {  	s4 =	sld [smem:$0x3FFC];
	_ =	sdelay $0x3  }
0x95: {  	_ =	strace s4  }
0x96: {  	s4 =	sld [smem:$0x3FFD];
	_ =	sdelay $0x3  }
0x97: {  	_ =	strace s4  }
0x98: {  	_ =	strace $0x8FFFFFFF  }
0x99: {  	s19 =	sld [smem:$0x3FDB];
	_ =	sdelay $0x1  }
0x9a: {  	s5 =	simm.s32 $_scs_section_size  }
0x9b: {  	s6 =	simm.s32 $_size__tile_overlayer_lowered;
	s7 =	simm.s32 $_tile_overlayer_lowered  }
0x9c: {  	s22 =	simm.s32 $0x1BFF;
	s21 =	sshll.u32 s7, $0x1;
	s4 =	sadd.s32 s5, s19  }
0x9d: {  	s8 =	simm.s32 $0x0;
	s20 =	sshll.u32 s6, $0x1;
	s6 =	sadd.s32 s21, s4  }
0x9e: {  	[timem:s8], [sflag:s22] =	dma.local [hbm:s6], s20  }
0x9f: {  	_ =	swait.ge [sflag:s22], s20  }
0xa0: {  	s5 =	ssub.s32 $0x0, s20;
	[sflag:s22] =	ssyncset.done $0x0  }
0xa1: {  	[sflag:s22] =	ssyncadd.s32 s5;
	_ =	sdelay $0x1  }
0xa2: {  	s23 =	simm.s32 $0x1B8B  }
0xa3: {  	_ =	swait.ge [sflag:s23], $0x1  }
0xa4: {  	[sflag:s23] =	ssyncset.done $0x0  }
0xa5: {  	s25 =	simm.s32 $0x1B8E;
	s24 =	sld [smem:$0x3FFE];
	[sflag:s23] =	ssyncadd.s32 $0xFFFFFFFF  }
0xa6: {  	s26 =	simm.s32 $execute0_lowered;
	[smem:$0x3FD2] =	sst s25  }
0xa7: {  	s6 =	sshll.u32 s26, $0x1;
	_ =	strace $0x80000046;
	[dreg:$0x1] =	wrdreg $0xFFFFFFFF  }
0xa8: {  	s28 =	simm.s32 $_size_execute0_lowered;
	s4 =	sadd.s32 s4, s6;
	[dreg:$0x0] =	wrdreg $0x0  }
0xa9: {  	s6 =	sshll.u32 s28, $0x1;
	[dreg:$0x2] =	wrdreg s4  }
0xaa: {  	[dreg:$0x3] =	wrdreg s6  }
0xab: {  	[dreg:$0x4] =	wrdreg $0xC0  }
0xac: {  	_ =	task [dreg:s8], $0x5FFFF  }
0xad: {  	[dreg:$0x1] =	wrdreg $0xFFFFFFFF  }
0xae: {  	[dreg:$0x0] =	wrdreg $0x60  }
0xaf: {  	[dreg:$0x2] =	wrdreg s2  }
0xb0: {  	[dreg:$0x3] =	wrdreg s18  }
0xb1: {  	[dreg:$0x4] =	wrdreg s24  }
0xb2: {  	[dreg:$0x5] =	wrdreg $0x9  }
0xb3: {  	_ =	task.clear_ibuf [dreg:s8], $0x6FFFF;
	_ =	strace $0x90000046  }
0xb4: {  	s29 =	simm.s32 $0x9;
	_ =	strace $0x80000048  }
0xb5: {  	_ =	swait.ge [sflag:s29], $0x1  }
0xb6: {  	[sflag:s29] =	ssyncadd.s32 $0xFFFFFFFF  }
0xb7: {  	_ =	strace $0x90000048  }
0xb8: {  	_ =	sfence  }
0xb9: {  	s30 =	sld [smem:$0x0];
	_ =	sdelay $0x2  }
0xba: {  	s31 =	sshll.u32 s1, $0xD;
	s1 =	sshrl.u32 s1, $0x2  }
0xbb: {  	s3 =	sand.u32 $0x4000, s31;
	s1 =	sadd.s32 s1, s30  }
0xbc: {  	s0 =	sor.u32 s3, s0;
	s1 =	sshll.u32 s1, $0x11  }
0xbd: {  	s0 =	sor.u32 s1, s0  }
0xbe: {  	s0 =	sadd.s32 $0x8F2B, s0  }
0xbf: {  	[sflag:s0] =	ssyncadd.remote.s32 $0x1  }
0xc0: {  	_ =	sfence.sel $0xFFFF  }
0xc1: {  	[dreg:$0x0] =	wrdreg $0xFFFFFFFF;
	(pc) =	sbr.abs _section_cstart, $3  }
0xc2: {  	[dreg:$0x1] =	wrdreg $0xFFFFFFFF  }
0xc3: {  	_ =	task.clear_ibuf [dreg:s8], $0x2FFFF;
	_ =	strace $0x9FFFFFFF  }
0xc4: {  	(tm) =	ssettm $0x7FFFFFFF  }
0xc5: {  	_ =	shalt  }
tec
execute0_lowered:
.L_overlay_start_1:
0x0: {  	(tag) =	ssettag $0x1  }
0x1: {  	s0 =	rddreg [dreg:$0x0]  }
0x2: {  	s1 =	rddreg [dreg:$0x1];
	s2 =	srdreg.scid  }
0x3: {  	s4 =	stileid.u32;
	s5 =	rddreg [dreg:$0x2]  }
0x4: {  	s14 =	simm.s32 $0x2;
	s18 =	simm.s32 $0x800;
	s19 =	simm.s32 $0xA00  }
0x5: {  	s20 =	simm.s32 $0xC00;
	s21 =	simm.s32 $0x80;
	s22 =	simm.s32 $0xE00  }
0x6: {  	s23 =	simm.s32 $0x2E00;
	s24 =	simm.s32 $0x4E00;
	s25 =	simm.s32 $0x6E00  }
0x7: {  	s26 =	simm.s32 $0x8E00;
	s28 =	simm.s32 $0xAE00;
	s29 =	simm.s32 $0xCE00  }
0x8: {  	s30 =	simm.s32 $0x1;
	s3 =	sand.u32 $0x1, s2;
	s4 =	sshll.u32 s4, $0x1  }
0x9: {  	s31 =	simm.s32 $0xEE00;
	s2 =	simm.s32 $0x0;
	s4 =	sor.u32 s3, s4  }
0xa: {  	[smem:$0x7FF] =	sst s2;
	s7 =	ssub.s32 $0x2, s3;
	s3 =	sadd.s32 $0xF44E00, s5  }
0xb: {  	s6 =	sshll.u32 s4, $0x6;
	_ =	strace $0x80000047;
	s8 =	sshll.u32 s4, $0x1  }
0xc: {  	v0 =	vlaneseq.u32;
	s9 =	sshrl.u32 s7, $0x1;
	s4 =	sadd.s32 $0x16E6000, s5;
	s11 =	sadd.s32 s6, s5  }
0xd: {  	v0 =	vmul.u32 $0x40, v0;
	s12 =	sadd.s32 s8, s5;
	s13 =	ssub.s32 s7, s9;
	s5 =	sadd.s32 s0, s6  }
0xe: {  	s6 =	sadd.s32 s1, s6;
	s1 =	simm.s32 $0x0;
	s7 =	sadd.s32 $0x2200, s11  }
0xf: {  	v1 =	vor.u32 $0x8000, v0;
	s8 =	sadd.s32 $0x1A00, s11;
	s9 =	sadd.s32 $0x1200, s11;
	s10 =	sadd.s32 $0xA00, s11  }
0x10: {  	v2 =	vor.u32 $0x6000, v0;
	v3 =	vor.u32 $0x4000, v0;
	v4 =	vor.u32 $0x2000, v0;
	s11 =	sadd.s32 $0x200, s11;
	s12 =	sadd.s32 $0x2A00, s12;
	s13 =	smax.u32 s13, $0x1  }
.LBB2_1:
0x11: {  	[tilespmem:s2], [sflag:$0x2] =	stream.linear.gather [hbm4b:s5+s2], $0x200, $0x38;
	[tilespmem:$0xEE10] =	vst v63  }
0x12: {  	_ =	swait.ge [sflag:s14], $0x200  }
0x13: {  	[sflag:s14] =	ssyncset.done $0x0  }
0x14: {  	s0 =	simm.s32 $0x200;
	[sflag:s14] =	ssyncadd.s32 $0xFFFFFE00  }
0x15: {  	[tilespmem:s0], [sflag:$0x2] =	stream.linear.gather [hbm4b:s6+s2], $0x200, $0x38;
	[tilespmem:$0xEE10] =	vst v63  }
0x16: {  	_ =	swait.ge [sflag:s14], $0x200  }
0x17: {  	[sflag:s14] =	ssyncset.done $0x0  }
0x18: {  	s16 =	simm.s32 $0x400;
	[sflag:s14] =	ssyncadd.s32 $0xFFFFFE00  }
0x19: {  	[tilespmem:s16], [sflag:$0x2] =	stream.linear.gather [hbm4b:s7+s2], $0x200, $0x38;
	[tilespmem:$0xEE10] =	vst v63  }
0x1a: {  	_ =	swait.ge [sflag:s14], $0x200  }
0x1b: {  	[sflag:s14] =	ssyncset.done $0x0  }
0x1c: {  	s17 =	simm.s32 $0x600;
	[sflag:s14] =	ssyncadd.s32 $0xFFFFFE00  }
0x1d: {  	[tilespmem:s17], [sflag:$0x2] =	stream.linear.gather [hbm4b:s8+s2], $0x200, $0x38;
	[tilespmem:$0xEE10] =	vst v63  }
0x1e: {  	_ =	swait.ge [sflag:s14], $0x200  }
0x1f: {  	[sflag:s14] =	ssyncset.done $0x0  }
0x20: {  	[sflag:s14] =	ssyncadd.s32 $0xFFFFFE00  }
0x21: {  	[tilespmem:s18], [sflag:$0x2] =	stream.linear.gather [hbm4b:s9+s2], $0x200, $0x38;
	[tilespmem:$0xEE10] =	vst v63  }
0x22: {  	_ =	swait.ge [sflag:s14], $0x200  }
0x23: {  	[sflag:s14] =	ssyncset.done $0x0  }
0x24: {  	[sflag:s14] =	ssyncadd.s32 $0xFFFFFE00  }
0x25: {  	[tilespmem:s19], [sflag:$0x2] =	stream.linear.gather [hbm4b:s10+s2], $0x200, $0x38;
	[tilespmem:$0xEE10] =	vst v63  }
0x26: {  	_ =	swait.ge [sflag:s14], $0x200  }
0x27: {  	[sflag:s14] =	ssyncset.done $0x0  }
0x28: {  	[sflag:s14] =	ssyncadd.s32 $0xFFFFFE00  }
0x29: {  	[tilespmem:s20], [sflag:$0x2] =	stream.linear.gather [hbm4b:s11+s2], $0x200, $0x38;
	[tilespmem:$0xEE10] =	vst v63  }
0x2a: {  	_ =	swait.ge [sflag:s14], $0x200  }
0x2b: {  	[sflag:s14] =	ssyncset.done $0x0  }
0x2c: {  	v5 =	vimm.f32 $0.0e+00;
	s0 =	simm.s32 $0x0;
	[sflag:s14] =	ssyncadd.s32 $0xFFFFFE00  }
.LBB2_2:
0x2d: {  	s15 =	sshll.u32 s0, $0x7  }
0x2e: {  	[tilespmem:s22], [sflag:$0x1] =	stream.indirect.gather [hbm4b:s3+s21], $0x40, s15, s21, $0xb8;
	[tilespmem:$0xEE10] =	vst v63  }
0x2f: {  	s16 =	sadd.s32 $0x200, s15  }
0x30: {  	[tilespmem:s23], [sflag:$0x1] =	stream.indirect.gather [hbm4b:s4+s21], $0x40, s16, s21, $0xb8;
	[tilespmem:$0xEE10] =	vst v63  }
0x31: {  	s17 =	sadd.s32 $0x400, s15  }
0x32: {  	[tilespmem:s24], [sflag:$0x1] =	stream.indirect.gather [hbm4b:s4+s21], $0x40, s17, s21, $0xb8;
	[tilespmem:$0xEE10] =	vst v63  }
0x33: {  	s17 =	sadd.s32 $0x600, s15  }
0x34: {  	[tilespmem:s25], [sflag:$0x1] =	stream.indirect.gather [hbm4b:s4+s21], $0x40, s17, s21, $0xb8;
	[tilespmem:$0xEE10] =	vst v63  }
0x35: {  	s17 =	sadd.s32 $0x800, s15  }
0x36: {  	[tilespmem:s26], [sflag:$0x1] =	stream.indirect.gather [hbm4b:s4+s21], $0x40, s17, s21, $0xb8;
	[tilespmem:$0xEE10] =	vst v63  }
0x37: {  	s17 =	sadd.s32 $0xA00, s15  }
0x38: {  	[tilespmem:s28], [sflag:$0x1] =	stream.indirect.gather [hbm4b:s4+s21], $0x40, s17, s21, $0xb8;
	[tilespmem:$0xEE10] =	vst v63  }
0x39: {  	s15 =	sadd.s32 $0xC00, s15  }
0x3a: {  	[tilespmem:s29], [sflag:$0x1] =	stream.indirect.gather [hbm4b:s4+s21], $0x40, s15, s21, $0xb8;
	[tilespmem:$0xEE10] =	vst v63  }
0x3b: {  	_ =	swait.ge [sflag:s30], $0x2000  }
0x3c: {  	[sflag:s30] =	ssyncset.done $0x0  }
0x3d: {  	[sflag:s30] =	ssyncadd.s32 $0xFFFFE000  }
0x3e: {  	_ =	swait.ge [sflag:s30], $0x2000  }
0x3f: {  	[sflag:s30] =	ssyncset.done $0x0  }
0x40: {  	[sflag:s30] =	ssyncadd.s32 $0xFFFFE000  }
0x41: {  	_ =	swait.ge [sflag:s30], $0x2000  }
0x42: {  	[sflag:s30] =	ssyncset.done $0x0  }
0x43: {  	[sflag:s30] =	ssyncadd.s32 $0xFFFFE000  }
0x44: {  	_ =	swait.ge [sflag:s30], $0x2000  }
0x45: {  	[sflag:s30] =	ssyncset.done $0x0  }
0x46: {  	[sflag:s30] =	ssyncadd.s32 $0xFFFFE000  }
0x47: {  	_ =	swait.ge [sflag:s30], $0x2000  }
0x48: {  	[sflag:s30] =	ssyncset.done $0x0  }
0x49: {  	[sflag:s30] =	ssyncadd.s32 $0xFFFFE000  }
0x4a: {  	_ =	swait.ge [sflag:s30], $0x2000  }
0x4b: {  	[sflag:s30] =	ssyncset.done $0x0  }
0x4c: {  	[sflag:s30] =	ssyncadd.s32 $0xFFFFE000  }
0x4d: {  	_ =	swait.ge [sflag:s30], $0x2000  }
0x4e: {  	[sflag:s30] =	ssyncset.done $0x0  }
0x4f: {  	s16 =	simm.s32 $0x0;
	s15 =	simm.s32 $0x0;
	[sflag:s30] =	ssyncadd.s32 $0xFFFFE000  }
.LBB2_3:
0x50: {  	s17 =	sshll.u32 s16, $0x4  }
0x51: {  	v6 =	vmov s17  }
0x52: {  	v7 =	vmov s15;
	v10 =	vshll.u32 v6, $0x6  }
0x53: {  	v12 =	vand.u32 $0x38, v7;
	v17 =	vor.u32 v0, v10  }
0x54: {  	v13 =	vand.u32 $0x7, v7;
	v7 =	vor.u32 v17, v12  }
0x55: {  	v14 =	vor.u32 v13, v7  }
0x56: {  	v6 =	vadd.s32 v1, v10  }
0x57: {  	v7 =	vor.u32 v6, v12  }
0x58: {  	v15 =	vor.u32 v13, v7;
	v7 =	vadd.s32 v4, v10  }
0x59: {  	v9 =	vadd.s32 v3, v10;
	v8 =	vor.u32 v7, v12  }
0x5a: {  	s17 =	simm.s32 $0x1;
	v16 =	vor.u32 v9, v12;
	v18 =	vor.u32 v13, v8;
	v8 =	vld.idx.msk [tilespmem:v14+s22+$0x0], $0xffff  }
0x5b: {  	v11 =	vadd.s32 v2, v10;
	v10 =	vor.u32 v13, v16;
	v16 =	vmov s17;
	v20 =	vld.idx.msk [tilespmem:v14+s23+$0x0], $0xffff  }
0x5c: {  	v12 =	vor.u32 v11, v12;
	v19 =	vand.u32 $0x38, v16;
	v21 =	vld.idx.msk [tilespmem:v14+s24+$0x0], $0xffff  }
0x5d: {  	v12 =	vor.u32 v13, v12;
	v13 =	vand.u32 $0x7, v16;
	v16 =	vor.u32 v17, v19;
	v15 =	vld.idx.msk [tilespmem:v15+s24+$0x0], $0xffff  }
0x5e: {  	v23 =	vor.u32 v13, v16;
	v14 =	vor.u32 v6, v19  }
0x5f: {  	s17 =	simm.s32 $0x2;
	v16 =	vor.u32 v7, v19;
	v25 =	vor.u32 v13, v14;
	v24 =	vld.idx.msk [tilespmem:v18+s24+$0x0], $0xffff  }
0x60: {  	v29 =	vmov s17;
	v22 =	vor.u32 v13, v16;
	v14 =	vor.u32 v9, v19;
	v16 =	vld.idx.msk [tilespmem:v10+s24+$0x0], $0xffff  }
0x61: {  	v10 =	vor.u32 v11, v19;
	v19 =	vor.u32 v13, v14;
	v20 =	vmul.f32 v20, v8  }
0x62: {  	v18 =	vimm.f32 $0.0e+00;
	v14 =	vld.idx.msk [tilespmem:v12+s24+$0x0], $0xffff;
	v21 =	vmul.f32 v21, v8;
	v26 =	vmul.f32 v15, v8  }
0x63: {  	v12 =	vld.idx.msk [tilespmem:v23+s22+$0x0], $0xffff;
	v15 =	vor.u32 v13, v10;
	v27 =	vadd.f32 v20, v18;
	v20 =	vand.u32 $0x38, v29  }
0x64: {  	v13 =	vld.idx.msk [tilespmem:v25+s24+$0x0], $0xffff;
	v10 =	vadd.f32 v26, v18;
	v25 =	vmul.f32 v24, v8;
	v26 =	vadd.f32 v21, v18  }
0x65: {  	s17 =	simm.s32 $0x3;
	v28 =	vld.idx.msk [tilespmem:v23+s23+$0x0], $0xffff;
	v24 =	vmul.f32 v16, v8;
	v21 =	vimm.f32 $0.0e+00;
	v16 =	vimm.f32 $0.0e+00  }
.LBB2_4:
0x66: {  	p0 =	sne.s32 s17, $0x3F;
	v29 =	vand.u32 $0x7, v29;
	v30 =	vor.u32 v17, v20;
	v31 =	vor.u32 v7, v20;
	v32 =	vld.idx.msk [tilespmem:v23+s24+$0x0], $0xffff  }
0x67: {  	v33 =	vor.u32 v6, v20;
	v23 =	vor.u32 v29, v30;
	v30 =	vor.u32 v9, v20;
	v34 =	vld.idx.msk [tilespmem:v22+s24+$0x0], $0xffff  }
0x68: {  	v22 =	vor.u32 v29, v31;
	v20 =	vor.u32 v11, v20;
	v31 =	vor.u32 v29, v33;
	v33 =	vld.idx.msk [tilespmem:v19+s24+$0x0], $0xffff  }
0x69: {  	v19 =	vor.u32 v29, v30;
	v30 =	vmul.f32 v14, v8;
	v14 =	vld.idx.msk [tilespmem:v15+s24+$0x0], $0xffff;
	v15 =	vor.u32 v29, v20  }
.Ltmp0:
0x6a: {  	v18 =	vadd.f32 v25, v18;
	v21 =	vadd.f32 v24, v21;
	v8 =	vmovc v12;
	v13 =	vmul.f32 v13, v12;
	(pc) =	sbr.rel @p0 .LBB2_4-.Ltmp0, $4  }
0x6b: {  	v20 =	vmul.f32 v28, v8;
	v16 =	vadd.f32 v30, v16  }
0x6c: {  	v24 =	vmul.f32 v32, v8;
	v10 =	vadd.f32 v13, v10;
	v12 =	vld.idx.msk [tilespmem:v23+s22+$0x0], $0xffff  }
0x6d: {  	v29 =	vmov s17;
	v27 =	vadd.f32 v20, v27;
	v25 =	vmul.f32 v34, v8;
	v13 =	vld.idx.msk [tilespmem:v31+s24+$0x0], $0xffff  }
0x6e: {  	s17 =	sadd.s32 $0x1, s17;
	v20 =	vand.u32 $0x38, v29;
	v26 =	vadd.f32 v24, v26;
	v24 =	vmul.f32 v33, v8;
	v28 =	vld.idx.msk [tilespmem:v23+s23+$0x0], $0xffff  }
0x6f: {  	v29 =	vand.u32 $0x7, v29;
	v17 =	vor.u32 v17, v20  }
0x70: {  	v17 =	vor.u32 v29, v17;
	_ =	sdelay $0x4  }
0x71: {  	v30 =	vld.idx.msk [tilespmem:v17+s22+$0x0], $0xffff  }
0x72: {  	v31 =	vld.idx.msk [tilespmem:v17+s23+$0x0], $0xffff;
	_ =	sdelay $0x2  }
0x73: {  	v28 =	vmul.f32 v28, v12;
	_ =	sdelay $0x1  }
0x74: {  	v27 =	vadd.f32 v28, v27;
	v34 =	vmul.f32 v31, v30;
	_ =	sdelay $0x1  }
0x75: {  	v27 =	vadd.f32 v34, v27;
	_ =	sdelay $0x1  }
0x76: {  	v23 =	vld.idx.msk [tilespmem:v23+s24+$0x0], $0xffff;
	v28 =	vand.u32 $0x7FFFFFFF, v27  }
0x77: {  	v28 =	vsub.f32 $0.0e+00, v28  }
0x78: {  	v17 =	vld.idx.msk [tilespmem:v17+s24+$0x0], $0xffff  }
0x79: {  	v28 =	vmul.f32 $1.442695020e+00, v28;
	_ =	sdelay $0x1  }
0x7a: {  	v23 =	vmul.f32 v23, v12;
	(erf) = vpow2.f32 v28;
	_ =	sdelay $0x1  }
0x7b: {  	v23 =	vadd.f32 v23, v26;
	v17 =	vmul.f32 v17, v30;
	_ =	sdelay $0x1  }
0x7c: {  	v7 =	vor.u32 v7, v20;
	v17 =	vadd.f32 v17, v23  }
0x7d: {  	v35 =	vor.u32 v29, v7  }
0x7e: {  	v7 =	vsub.f32 $0.0e+00, v17;
	_ =	sdelay $0x1  }
0x7f: {  	v36 =	vld.idx.msk [tilespmem:v22+s24+$0x0], $0xffff;
	v37 =	vand.u32 $0x7FFFFFFF, v7  }
0x80: {  	v22 =	vsub.f32 $0.0e+00, v37;
	v38 =	vpop (erf)  }
0x81: {  	v23 =	vld.idx.msk [tilespmem:v35+s24+$0x0], $0xffff;
	v39 =	vadd.f32 $2.000000000e+00, v38  }
0x82: {  	v22 =	vmul.f32 $1.442695020e+00, v22  }
0x83: {  	(erf) = vrcp.f32 v39  }
0x84: {  	v18 =	vadd.f32 v25, v18;
	v17 =	vmul.f32 v36, v12;
	(erf) = vpow2.f32 v22;
	_ =	sdelay $0x1  }
0x85: {  	v17 =	vadd.f32 v17, v18;
	v40 =	vmul.f32 v23, v30;
	_ =	sdelay $0x1  }
0x86: {  	v9 =	vor.u32 v9, v20;
	v17 =	vadd.f32 v40, v17  }
0x87: {  	v41 =	vor.u32 v29, v9  }
0x88: {  	v9 =	vsub.f32 $0.0e+00, v17;
	_ =	sdelay $0x1  }
0x89: {  	v42 =	vld.idx.msk [tilespmem:v19+s24+$0x0], $0xffff;
	v44 =	vand.u32 $0x7FFFFFFF, v9;
	v43 =	vpop (erf)  }
0x8a: {  	v22 =	vsub.f32 $0.0e+00, v44;
	v45 =	vpop (erf)  }
0x8b: {  	v18 =	vld.idx.msk [tilespmem:v41+s24+$0x0], $0xffff;
	v46 =	vadd.f32 $2.000000000e+00, v45  }
0x8c: {  	v22 =	vmul.f32 $1.442695020e+00, v22  }
0x8d: {  	(erf) = vrcp.f32 v46  }
0x8e: {  	v21 =	vadd.f32 v24, v21;
	v17 =	vmul.f32 v42, v12;
	(erf) = vpow2.f32 v22;
	_ =	sdelay $0x1  }
0x8f: {  	v18 =	vmul.f32 v18, v30;
	v17 =	vadd.f32 v17, v21;
	_ =	sdelay $0x1  }
0x90: {  	v11 =	vor.u32 v11, v20;
	v17 =	vadd.f32 v18, v17  }
0x91: {  	v47 =	vor.u32 v29, v11  }
0x92: {  	v11 =	vsub.f32 $0.0e+00, v17;
	_ =	sdelay $0x1  }
0x93: {  	v15 =	vld.idx.msk [tilespmem:v15+s24+$0x0], $0xffff;
	v49 =	vand.u32 $0x7FFFFFFF, v11;
	v48 =	vpop (erf)  }
0x94: {  	v21 =	vsub.f32 $0.0e+00, v49;
	v22 =	vpop (erf)  }
0x95: {  	v18 =	vld.idx.msk [tilespmem:v47+s24+$0x0], $0xffff;
	v50 =	vadd.f32 $2.000000000e+00, v22  }
0x96: {  	v8 =	vmul.f32 v14, v8;
	v51 =	vmul.f32 $1.442695020e+00, v21  }
0x97: {  	(erf) = vrcp.f32 v50  }
0x98: {  	v8 =	vadd.f32 v8, v16;
	v15 =	vmul.f32 v15, v12;
	(erf) = vpow2.f32 v51;
	_ =	sdelay $0x1  }
0x99: {  	v8 =	vadd.f32 v15, v8;
	v52 =	vmul.f32 v18, v30;
	_ =	sdelay $0x1  }
0x9a: {  	v6 =	vor.u32 v6, v20;
	v8 =	vadd.f32 v52, v8  }
0x9b: {  	v6 =	vor.u32 v29, v6  }
0x9c: {  	v8 =	vsub.f32 $0.0e+00, v8;
	_ =	sdelay $0x1  }
0x9d: {  	v54 =	vand.u32 $0x7FFFFFFF, v8;
	v53 =	vpop (erf)  }
0x9e: {  	v15 =	vsub.f32 $0.0e+00, v54;
	v55 =	vpop (erf)  }
0x9f: {  	v6 =	vld.idx.msk [tilespmem:v6+s24+$0x0], $0xffff;
	v56 =	vadd.f32 $2.000000000e+00, v55  }
0xa0: {  	v15 =	vmul.f32 $1.442695020e+00, v15  }
0xa1: {  	(erf) = vrcp.f32 v56  }
0xa2: {  	v57 =	vmul.f32 v13, v12;
	(erf) = vpow2.f32 v15;
	_ =	sdelay $0x1  }
0xa3: {  	v10 =	vadd.f32 v57, v10;
	v6 =	vmul.f32 v6, v30;
	_ =	sdelay $0x1  }
0xa4: {  	v6 =	vadd.f32 v6, v10;
	_ =	sdelay $0x1  }
0xa5: {  	v6 =	vsub.f32 $0.0e+00, v6;
	_ =	sdelay $0x1  }
0xa6: {  	v59 =	vand.u32 $0x7FFFFFFF, v6;
	v58 =	vpop (erf)  }
0xa7: {  	v12 =	vsub.f32 $0.0e+00, v59;
	v60 =	vpop (erf)  }
0xa8: {  	v61 =	vadd.f32 $2.000000000e+00, v60  }
0xa9: {  	v12 =	vmul.f32 $1.442695020e+00, v12  }
0xaa: {  	(erf) = vrcp.f32 v61  }
0xab: {  	(erf) = vpow2.f32 v12;
	_ =	sdelay $0x2  }
0xac: {  	v62 =	vmul.f32 v43, v38;
	_ =	sdelay $0x1  }
0xad: {  	v63 =	vmul.f32 v62, v62;
	_ =	sdelay $0x1  }
0xae: {  	v28 =	vmul.f32 $9.090909360e-02, v63  }
0xaf: {  	v29 =	vpop (erf)  }
0xb0: {  	v18 =	vadd.f32 $1.111111120e-01, v28;
	v30 =	vpop (erf)  }
0xb1: {  	v17 =	vmul.f32 v48, v45;
	v31 =	vadd.f32 $2.000000000e+00, v30  }
0xb2: {  	v18 =	vmul.f32 v18, v63  }
0xb3: {  	v23 =	vmul.f32 v17, v17;
	(erf) = vrcp.f32 v31;
	_ =	sdelay $0x1  }
0xb4: {  	v18 =	vadd.f32 $1.428571490e-01, v18;
	v32 =	vmul.f32 $9.090909360e-02, v23  }
0xb5: {  	v14 =	vmul.f32 v53, v22  }
0xb6: {  	v18 =	vmul.f32 v18, v63;
	v21 =	vadd.f32 $1.111111120e-01, v32  }
0xb7: {  	v22 =	vmul.f32 v14, v14;
	v10 =	vmul.f32 v58, v55  }
0xb8: {  	v33 =	vadd.f32 $2.000000030e-01, v18;
	v34 =	vmul.f32 v21, v23  }
0xb9: {  	v35 =	vmul.f32 $9.090909360e-02, v22;
	v36 =	vmul.f32 v10, v10  }
0xba: {  	v16 =	vmul.f32 v33, v63;
	v13 =	vmul.f32 v29, v60  }
0xbb: {  	v18 =	vadd.f32 $1.428571490e-01, v34;
	v37 =	vadd.f32 $1.111111120e-01, v35;
	v38 =	vmul.f32 $9.090909360e-02, v36;
	v39 =	vpop (erf)  }
0xbc: {  	v7 =	vmin.f32 v7, $0.0e+00;
	v41 =	vmul.f32 v13, v13;
	v20 =	vmul.f32 v39, v30  }
0xbd: {  	v18 =	vmul.f32 v18, v23;
	v19 =	vmul.f32 v37, v22;
	v21 =	vadd.f32 $1.111111120e-01, v38  }
0xbe: {  	v40 =	vmin.f32 v27, $0.0e+00;
	v42 =	vmul.f32 $9.090909360e-02, v41;
	v43 =	vmul.f32 v20, v20  }
0xbf: {  	v18 =	vadd.f32 $2.000000030e-01, v18;
	v19 =	vadd.f32 $1.428571490e-01, v19;
	v21 =	vmul.f32 v21, v36  }
0xc0: {  	v16 =	vadd.f32 $3.333333430e-01, v16;
	v44 =	vadd.f32 $1.111111120e-01, v42;
	v45 =	vmul.f32 $9.090909360e-02, v43  }
0xc1: {  	v18 =	vmul.f32 v18, v23;
	v19 =	vmul.f32 v19, v22;
	v21 =	vadd.f32 $1.428571490e-01, v21  }
0xc2: {  	v15 =	vmul.f32 v16, v63;
	v16 =	vmul.f32 v44, v41;
	v25 =	vadd.f32 $1.111111120e-01, v45  }
0xc3: {  	v18 =	vadd.f32 $3.333333430e-01, v18;
	v19 =	vadd.f32 $2.000000030e-01, v19;
	v21 =	vmul.f32 v21, v36  }
0xc4: {  	v15 =	vadd.f32 $1.000000000e+00, v15;
	v46 =	vadd.f32 $1.428571490e-01, v16;
	v47 =	vmul.f32 v25, v43  }
0xc5: {  	v18 =	vmul.f32 v18, v23;
	v19 =	vmul.f32 v19, v22;
	v21 =	vadd.f32 $2.000000030e-01, v21  }
0xc6: {  	v12 =	vmul.f32 v15, v62;
	v15 =	vmul.f32 v46, v41;
	v16 =	vadd.f32 $1.428571490e-01, v47  }
0xc7: {  	v18 =	vadd.f32 $1.000000000e+00, v18;
	v19 =	vadd.f32 $3.333333430e-01, v19;
	v21 =	vmul.f32 v21, v36  }
0xc8: {  	v12 =	vadd.f32 v12, v12;
	v15 =	vadd.f32 $2.000000030e-01, v15;
	v16 =	vmul.f32 v16, v43  }
0xc9: {  	v17 =	vmul.f32 v18, v17;
	v48 =	vmul.f32 v19, v22;
	v49 =	vadd.f32 $3.333333430e-01, v21  }
0xca: {  	v12 =	vsub.f32 v40, v12;
	v50 =	vmul.f32 v15, v41;
	v51 =	vadd.f32 $2.000000030e-01, v16  }
0xcb: {  	v52 =	vadd.f32 v17, v17;
	v53 =	vadd.f32 $1.000000000e+00, v48;
	v54 =	vmul.f32 v49, v36  }
0xcc: {  	v5 =	vadd.f32 v12, v5;
	v12 =	vadd.f32 $3.333333430e-01, v50;
	v15 =	vmul.f32 v51, v43  }
0xcd: {  	v7 =	vsub.f32 v7, v52;
	v14 =	vmul.f32 v53, v14;
	v55 =	vadd.f32 $1.000000000e+00, v54  }
0xce: {  	v12 =	vmul.f32 v12, v41;
	v15 =	vadd.f32 $3.333333430e-01, v15  }
0xcf: {  	v5 =	vadd.f32 v7, v5;
	v7 =	vadd.f32 v14, v14;
	v10 =	vmul.f32 v55, v10  }
0xd0: {  	v9 =	vmin.f32 v9, $0.0e+00;
	v12 =	vadd.f32 $1.000000000e+00, v12;
	v56 =	vmul.f32 v15, v43  }
0xd1: {  	v7 =	vsub.f32 v9, v7;
	v57 =	vadd.f32 v10, v10  }
0xd2: {  	v58 =	vmin.f32 v11, $0.0e+00;
	v59 =	vmul.f32 v12, v13;
	v60 =	vadd.f32 $1.000000000e+00, v56  }
0xd3: {  	v5 =	vadd.f32 v7, v5;
	v7 =	vsub.f32 v58, v57  }
0xd4: {  	s16 =	sadd.s32 $0x1, s16;
	v61 =	vadd.f32 v59, v59;
	v62 =	vmul.f32 v60, v20  }
0xd5: {  	p0 =	sne.s32 s16, $0x8;
	v5 =	vadd.f32 v7, v5;
	v7 =	vmin.f32 v8, $0.0e+00  }
.Ltmp1:
0xd6: {  	v7 =	vsub.f32 v7, v61;
	v63 =	vadd.f32 v62, v62;
	(pc) =	sbr.rel @p0 .LBB2_3-.Ltmp1, $3  }
0xd7: {  	v6 =	vmin.f32 v6, $0.0e+00  }
0xd8: {  	v5 =	vadd.f32 v7, v5;
	v6 =	vsub.f32 v6, v63;
	_ =	sdelay $0x1  }
0xd9: {  	v5 =	vadd.f32 v6, v5  }
0xda: {  	s0 =	sadd.s32 $0x1, s0  }
0xdb: {  	p0 =	sne.s32 s0, $0x4  }
.Ltmp2:
0xdc: {  	_ = 	snop;
	(pc) =	sbr.rel @p0 .LBB2_2-.Ltmp2, $1  }
0xdd: {  	_ =	sdelay $0x3  }
0xde: {  	s1 =	sadd.s32 $0x1, s1  }
0xdf: {  	p0 =	sne.s32 s1, s13  }
.Ltmp3:
0xe0: {  	[tilespmem:$0xEE00] =	vst v5;
	(pc) =	sbr.rel @p0 .LBB2_1-.Ltmp3, $4  }
0xe1: {  	[hbm4b:s12+s2] =	stream.linear.scatter [tilespmem:s31], [sflag:$0x2], $0x10, $0x38;
	[tilespmem:$0xEE10] =	vst v63  }
0xe2: {  	_ =	swait.ge [sflag:s14], $0x10  }
0xe3: {  	[sflag:s14] =	ssyncset.done $0x0  }
0xe4: {  	[sflag:s14] =	ssyncadd.s32 $0xFFFFFFF0  }
0xe5: {  	_ =	sfence.sel $0x180000  }
0xe6: {  	[bflag:$0x0] =	sbarrier.arrive $0xFFFF  }
0xe7: {  	_ =	strace $0x90000047  }
0xe8: {  	s0 =	stileid.u32;
	[bflag:$0x2] =	sbarrier.arrive $0xFFFF  }
0xe9: {  	p0 =	sne.s32 s0, $0x0;
	s0 =	rddreg [dreg:$0x3]  }
0xea: {  	s0 =	sadd.s32 @!p0 $0x100000, s0  }
0xeb: {  	[sflag:s0] =	ssyncadd.tile.s32 @!p0 $0x1;
	_ =	shalt  }
.Lfunc_end2:
_tile_overlayer_lowered:
.L_overlay_start_2:
0xec: {  	(tag) =	ssettag $0x2  }
0xed: {  	s0 =	rddreg [dreg:$0x0];
	s2 =	stileid.u32  }
0xee: {  	s1 =	rddreg [dreg:$0x1];
	p0 =	sne.s32 s2, $0x0  }
0xef: {  	s3 =	rddreg [dreg:$0x2];
	[bflag:$0x3] =	sbarrier.arrive $0xFFFF;
	s2 =	simm.s32 @!p0 $0x1C02  }
0xf0: {  	[timem:s3], [sflag:s2] =	dma.local @!p0 [hbm:s0], s1  }
0xf1: {  	s0 =	simm.s32 @!p0 $0x2  }
0xf2: {  	_ =	swait.ge @!p0 [sflag:s0], s1  }
0xf3: {  	s1 =	ssub.s32 @!p0 $0x0, s1;
	[sflag:s0] =	ssyncset.done @!p0 $0x0  }
0xf4: {  	[sflag:s0] =	ssyncadd.s32 @!p0 s1  }
0xf5: {  	[bflag:$0x3] =	sbarrier.arrive $0xFFFF  }
0xf6: {  	_ =	shalt  }

</sc_bundles>
